<compile_context>
chip_gen: v7x
topology: tpu7x:2x2x1
jax: 0.10.2.dev20260603
libtpu: 0.0.44.dev20260713+nightly
codegen_flags: <defaults>
</compile_context>

<pallas_src>
import functools

import jax
import jax.numpy as jnp
from jax import lax
from jax.experimental import pallas as pl
from jax.experimental.pallas import tpu as pltpu
from jax.experimental.pallas import tpu_sc as plsc

_VOCAB = 1000000
_D = 64
_PAD = 0

_B_ROWS = 4096
_SEQ = 200
_B = _B_ROWS * _SEQ

_NC = 2
_NS = 16
_NW = _NC * _NS
_IDX_W = 128
_GPC = 4
_CHUNK = _IDX_W * _GPC
_PER_W = _B // _NW
_N_IDX_ROWS = _PER_W // _IDX_W
_N_CHUNKS = _PER_W // _CHUNK
_NBUF = 2

_NGROUPS = _B // _IDX_W
_BCOL = _B_ROWS // _IDX_W
_GPS = 32


def _gather_kernel(idx_hbm, table_hbm, out_hbm, idx_v, bufs, gsems, osems):
    wid = lax.axis_index("s") * _NC + lax.axis_index("c")
    base = wid * _PER_W
    pltpu.sync_copy(idx_hbm.at[wid], idx_v)

    def fire_gathers(t, b):
        for j in range(_GPC):
            pltpu.async_copy(
                table_hbm.at[idx_v.at[t * _GPC + j]],
                bufs[b].at[pl.ds(j * _IDX_W, _IDX_W)],
                gsems[b],
            )

    def wait_gathers(t, b):
        for j in range(_GPC):
            pltpu.make_async_copy(
                table_hbm.at[idx_v.at[t * _GPC + j]],
                bufs[b].at[pl.ds(j * _IDX_W, _IDX_W)],
                gsems[b],
            ).wait()

    def out_copy(t, b):
        return (
            bufs[b],
            out_hbm.at[pl.ds(base + t * _CHUNK, _CHUNK)],
            osems[b],
        )

    fire_gathers(0, 0)

    @pl.loop(0, _N_CHUNKS // _NBUF)
    def _(t2):
        for b in range(_NBUF):
            t = _NBUF * t2 + b
            wait_gathers(t, b)
            nb = (b + 1) % _NBUF

            @pl.when(jnp.logical_and(t >= 1, t + 1 < _N_CHUNKS))
            def _():
                pltpu.make_async_copy(*out_copy(t - 1, nb)).wait()

            @pl.when(t + 1 < _N_CHUNKS)
            def _():
                fire_gathers(t + 1, nb)

            pltpu.async_copy(*out_copy(t, b))

    pltpu.make_async_copy(*out_copy(_N_CHUNKS - 2, (_N_CHUNKS - 2) % _NBUF)).wait()
    pltpu.make_async_copy(*out_copy(_N_CHUNKS - 1, (_N_CHUNKS - 1) % _NBUF)).wait()


def _sc_gather(idx3, table):
    mesh = plsc.VectorSubcoreMesh(core_axis_name="c", subcore_axis_name="s")
    f = functools.partial(
        pl.kernel,
        out_type=jax.ShapeDtypeStruct((_B, _D), jnp.float32),
        mesh=mesh,
        scratch_types=[
            pltpu.VMEM((_N_IDX_ROWS, _IDX_W), jnp.int32),
            [pltpu.VMEM((_CHUNK, _D), jnp.float32) for _ in range(_NBUF)],
            [pltpu.SemaphoreType.DMA for _ in range(_NBUF)],
            [pltpu.SemaphoreType.DMA for _ in range(_NBUF)],
        ],
        compiler_params=pltpu.CompilerParams(use_tc_tiling_on_sc=False),
    )(_gather_kernel)
    return f(idx3, table)


def _shuffle_body(g_ref, o_ref):
    tj = lax.broadcasted_iota(jnp.int32, (_D, _IDX_W), 0)
    jj = lax.broadcasted_iota(jnp.int32, (_D, _IDX_W), 1)
    e0 = (jj == 2 * tj).astype(jnp.float32)
    e1 = (jj == 2 * tj + 1).astype(jnp.float32)
    cn = (((0,), (0,)), ((), ()))
    outs = []
    for k in range(_GPS):
        m2 = g_ref[pl.ds(k * 8, 8), :, :].reshape(_D, _IDX_W)
        a = m2[:, 0:_D]
        b = m2[:, _D:_IDX_W]
        n = lax.dot_general(a, e0, cn, preferred_element_type=jnp.float32)
        n += lax.dot_general(b, e1, cn, preferred_element_type=jnp.float32)
        outs.append(n)
    o_ref[...] = jnp.concatenate(outs, axis=1).reshape(1, _D, _GPS * _IDX_W)


def _tc_shuffle(g):
    return pl.pallas_call(
        _shuffle_body,
        grid=(_NGROUPS // _GPS,),
        in_specs=[pl.BlockSpec((8 * _GPS, 8, 128), lambda i: (i, 0, 0))],
        out_specs=pl.BlockSpec(
            (1, _D, _GPS * _IDX_W),
            lambda i: (i // (_BCOL // _GPS), 0, i % (_BCOL // _GPS)),
        ),
        out_shape=jax.ShapeDtypeStruct((_SEQ, _D, _B_ROWS), jnp.float32),
    )(g)


def _mask_body(x_ref, o_ref):
    o_ref[...] = x_ref[...] == _PAD


def _tc_mask(x):
    return pl.pallas_call(
        _mask_body,
        out_shape=jax.ShapeDtypeStruct((_B_ROWS, _SEQ), jnp.bool_),
    )(x)


def kernel(x, table):
    idx3 = (
        x.reshape(_BCOL, _IDX_W, _SEQ)
        .transpose(2, 0, 1)
        .reshape(_NW, _N_IDX_ROWS, _IDX_W)
    )
    g = _sc_gather(idx3, table).reshape(_NGROUPS * 8, 8, _IDX_W)
    hq = _tc_shuffle(g)
    h = hq.transpose(2, 0, 1)
    mask = _tc_mask(x)
    return (h, mask)

# --- scband reference (transcript-rebuilt; emitter-appended) ---
"""Pipeline reference for scband-token-frontend-75539884802433 (READ-ONLY COPY).

The authoritative reference and input builder live on the scoring server;
editing this copy changes nothing except your own understanding.
"""

import jax, jax.numpy as jnp
import numpy as np

VOCAB = 1000000
D_MODEL = 64
PAD_ID = 0

def setup_inputs(seed: int = 0) -> dict:
    key = jax.random.key(seed)
    k1, k2 = jax.random.split(key)
    x = jax.random.randint(k1, (4096, 200), 0, VOCAB, dtype=jnp.int64 if jax.config.jax_enable_x64 else jnp.int32).astype(jnp.int32)
    table = jax.random.normal(k2, (VOCAB, D_MODEL), dtype=jnp.float32)
    # nn.Embedding(padding_idx=pad_id) initializes the pad row to zeros
    table = table.at[PAD_ID].set(0.0)
    return {"x": x, "table": table}

def reference(x, table):
    # h = self.embed(x)
    h = jnp.take(table, x, axis=0)
    # mask = x == self.pad_id (mask arg is None in this configuration)
    mask = (x == PAD_ID)
    return (h, mask)

if __name__ == "__main__":
    import jax
    _d = setup_inputs()
    print(jax.jit(kernel)(*tuple(_d.values())))

</pallas_src>

<mosaic_0001>
#map = affine_map<(d0, d1) -> (0, 0, 0)>
#map1 = affine_map<(d0, d1) -> (0, 0)>
module attributes {stable_mosaic.version = 14 : i64} {
  func.func @_gather_kernel(%arg0: i32, %arg1: i32, %arg2: memref<32x200x128xi32, #tpu.memory_space<hbm>>, %arg3: memref<1000000x64xf32, #tpu.memory_space<hbm>>, %arg4: memref<819200x64xf32, #tpu.memory_space<hbm>>, %arg5: memref<200x128xi32, #tpu.memory_space<vmem>>, %arg6: memref<512x64xf32, #tpu.memory_space<vmem>>, %arg7: memref<512x64xf32, #tpu.memory_space<vmem>>, %arg8: memref<!tpu.dma_semaphore, #tpu.memory_space<semaphore_mem>>, %arg9: memref<!tpu.dma_semaphore, #tpu.memory_space<semaphore_mem>>, %arg10: memref<!tpu.dma_semaphore, #tpu.memory_space<semaphore_mem>>, %arg11: memref<!tpu.dma_semaphore, #tpu.memory_space<semaphore_mem>>) attributes {dimension_semantics = [#tpu.dimension_semantics<core_parallel>, #tpu.dimension_semantics<subcore_parallel>], iteration_bounds = array<i64: 2, 16>, scalar_prefetch = 0 : i64, scratch_operands = 7 : i64, tpu.core_type = #tpu.core_type<sc_vector_subcore>, window_params = [{transform_indices = #map}, {transform_indices = #map1}, {transform_indices = #map1}]} {
    %mul3A = arith.constant 2 : i32
    %mul3A_0 = arith.muli %arg1, %mul3A : i32
    %add3A = arith.addi %mul3A_0, %arg0 : i32
    %mul3A_1 = arith.constant 25600 : i32
    %mul3A_2 = arith.muli %add3A, %mul3A_1 : i32
    "tpu.region"() ({
      %run_scoped3A = tpu.sem_alloc : memref<!tpu.dma_semaphore, #tpu.memory_space<semaphore_mem>>
      %dma_start3A_57 = arith.constant 0 : i32
      %dma_start3A_58 = arith.constant 0 : i32
      %dma_start3A_59 = tpu.memref_slice %arg2[%add3A, %dma_start3A_57, %dma_start3A_58] : memref<32x200x128xi32, #tpu.memory_space<hbm>> -> memref<1x200x128xi32, #tpu.memory_space<hbm>>
      %dma_start3A_60 = tpu.memref_squeeze %dma_start3A_59 : memref<1x200x128xi32, #tpu.memory_space<hbm>> -> memref<200x128xi32, #tpu.memory_space<hbm>>
      %dma_start3A_61 = arith.constant 0 : i32
      %dma_start3A_62 = arith.constant 0 : i32
      %dma_start3A_63 = tpu.memref_slice %arg2[%add3A, %dma_start3A_61, %dma_start3A_62] : memref<32x200x128xi32, #tpu.memory_space<hbm>> -> memref<1x200x128xi32, #tpu.memory_space<hbm>>
      %dma_start3A_64 = tpu.memref_squeeze %dma_start3A_63 : memref<1x200x128xi32, #tpu.memory_space<hbm>> -> memref<200x128xi32, #tpu.memory_space<hbm>>
      tpu.enqueue_dma source(%dma_start3A_64 : memref<200x128xi32, #tpu.memory_space<hbm>>) target(%arg5 : memref<200x128xi32, #tpu.memory_space<vmem>>) target_semaphore(%run_scoped3A : memref<!tpu.dma_semaphore, #tpu.memory_space<semaphore_mem>>)
      %dma_wait3A_65 = arith.constant 0 : i32
      %dma_wait3A_66 = arith.constant 0 : i32
      %dma_wait3A_67 = tpu.memref_slice %arg2[%add3A, %dma_wait3A_65, %dma_wait3A_66] : memref<32x200x128xi32, #tpu.memory_space<hbm>> -> memref<1x200x128xi32, #tpu.memory_space<hbm>>
      %dma_wait3A_68 = tpu.memref_squeeze %dma_wait3A_67 : memref<1x200x128xi32, #tpu.memory_space<hbm>> -> memref<200x128xi32, #tpu.memory_space<hbm>>
      %dma_wait3A_69 = arith.constant 0 : i32
      %dma_wait3A_70 = arith.constant 0 : i32
      %dma_wait3A_71 = tpu.memref_slice %arg2[%add3A, %dma_wait3A_69, %dma_wait3A_70] : memref<32x200x128xi32, #tpu.memory_space<hbm>> -> memref<1x200x128xi32, #tpu.memory_space<hbm>>
      %dma_wait3A_72 = tpu.memref_squeeze %dma_wait3A_71 : memref<1x200x128xi32, #tpu.memory_space<hbm>> -> memref<200x128xi32, #tpu.memory_space<hbm>>
      tpu.wait_dma2 semaphore(%run_scoped3A : memref<!tpu.dma_semaphore, #tpu.memory_space<semaphore_mem>>) src(%dma_wait3A_72 : memref<200x128xi32, #tpu.memory_space<hbm>>) dst(%arg5 : memref<200x128xi32, #tpu.memory_space<vmem>>)
      tpu.yield
    }) : () -> ()
    %dma_start3A = arith.constant 0 : i32
    %dma_start3A_3 = arith.constant 0 : i32
    %dma_start3A_4 = arith.constant 0 : i32
    %dma_start3A_5 = tpu.memref_slice %arg6[%dma_start3A_3, %dma_start3A_4] : memref<512x64xf32, #tpu.memory_space<vmem>> -> memref<128x64xf32, #tpu.memory_space<vmem>>
    %dma_start3A_6 = arith.constant 0 : i32
    %dma_start3A_7 = tpu.memref_slice %arg5[%dma_start3A, %dma_start3A_6] : memref<200x128xi32, #tpu.memory_space<vmem>> -> memref<1x128xi32, #tpu.memory_space<vmem>>
    %dma_start3A_8 = tpu.memref_squeeze %dma_start3A_7 : memref<1x128xi32, #tpu.memory_space<vmem>> -> memref<128xi32, #tpu.memory_space<vmem>>
    %dma_start3A_9 = arith.constant 0 : i32
    %dma_start3A_10 = arith.constant 0 : i32
    %dma_start3A_11 = tpu.memref_slice %arg3[%dma_start3A_9, %dma_start3A_10] : memref<1000000x64xf32, #tpu.memory_space<hbm>> -> memref<1000000x64xf32, #tpu.memory_space<hbm>>
    tpu.enqueue_indirect_dma source(%dma_start3A_11 : memref<1000000x64xf32, #tpu.memory_space<hbm>>) target(%dma_start3A_5 : memref<128x64xf32, #tpu.memory_space<vmem>>) offsets(%dma_start3A_8 : memref<128xi32, #tpu.memory_space<vmem>>) semaphore(%arg8 : memref<!tpu.dma_semaphore, #tpu.memory_space<semaphore_mem>>)
    %dma_start3A_12 = arith.constant 1 : i32
    %dma_start3A_13 = arith.constant 128 : i32
    %dma_start3A_14 = arith.constant 0 : i32
    %dma_start3A_15 = tpu.memref_slice %arg6[%dma_start3A_13, %dma_start3A_14] : memref<512x64xf32, #tpu.memory_space<vmem>> -> memref<128x64xf32, #tpu.memory_space<vmem>>
    %dma_start3A_16 = arith.constant 0 : i32
    %dma_start3A_17 = tpu.memref_slice %arg5[%dma_start3A_12, %dma_start3A_16] : memref<200x128xi32, #tpu.memory_space<vmem>> -> memref<1x128xi32, #tpu.memory_space<vmem>>
    %dma_start3A_18 = tpu.memref_squeeze %dma_start3A_17 : memref<1x128xi32, #tpu.memory_space<vmem>> -> memref<128xi32, #tpu.memory_space<vmem>>
    %dma_start3A_19 = arith.constant 0 : i32
    %dma_start3A_20 = arith.constant 0 : i32
    %dma_start3A_21 = tpu.memref_slice %arg3[%dma_start3A_19, %dma_start3A_20] : memref<1000000x64xf32, #tpu.memory_space<hbm>> -> memref<1000000x64xf32, #tpu.memory_space<hbm>>
    tpu.enqueue_indirect_dma source(%dma_start3A_21 : memref<1000000x64xf32, #tpu.memory_space<hbm>>) target(%dma_start3A_15 : memref<128x64xf32, #tpu.memory_space<vmem>>) offsets(%dma_start3A_18 : memref<128xi32, #tpu.memory_space<vmem>>) semaphore(%arg8 : memref<!tpu.dma_semaphore, #tpu.memory_space<semaphore_mem>>)
    %dma_start3A_22 = arith.constant 2 : i32
    %dma_start3A_23 = arith.constant 256 : i32
    %dma_start3A_24 = arith.constant 0 : i32
    %dma_start3A_25 = tpu.memref_slice %arg6[%dma_start3A_23, %dma_start3A_24] : memref<512x64xf32, #tpu.memory_space<vmem>> -> memref<128x64xf32, #tpu.memory_space<vmem>>
    %dma_start3A_26 = arith.constant 0 : i32
    %dma_start3A_27 = tpu.memref_slice %arg5[%dma_start3A_22, %dma_start3A_26] : memref<200x128xi32, #tpu.memory_space<vmem>> -> memref<1x128xi32, #tpu.memory_space<vmem>>
    %dma_start3A_28 = tpu.memref_squeeze %dma_start3A_27 : memref<1x128xi32, #tpu.memory_space<vmem>> -> memref<128xi32, #tpu.memory_space<vmem>>
    %dma_start3A_29 = arith.constant 0 : i32
    %dma_start3A_30 = arith.constant 0 : i32
    %dma_start3A_31 = tpu.memref_slice %arg3[%dma_start3A_29, %dma_start3A_30] : memref<1000000x64xf32, #tpu.memory_space<hbm>> -> memref<1000000x64xf32, #tpu.memory_space<hbm>>
    tpu.enqueue_indirect_dma source(%dma_start3A_31 : memref<1000000x64xf32, #tpu.memory_space<hbm>>) target(%dma_start3A_25 : memref<128x64xf32, #tpu.memory_space<vmem>>) offsets(%dma_start3A_28 : memref<128xi32, #tpu.memory_space<vmem>>) semaphore(%arg8 : memref<!tpu.dma_semaphore, #tpu.memory_space<semaphore_mem>>)
    %dma_start3A_32 = arith.constant 3 : i32
    %dma_start3A_33 = arith.constant 384 : i32
    %dma_start3A_34 = arith.constant 0 : i32
    %dma_start3A_35 = tpu.memref_slice %arg6[%dma_start3A_33, %dma_start3A_34] : memref<512x64xf32, #tpu.memory_space<vmem>> -> memref<128x64xf32, #tpu.memory_space<vmem>>
    %dma_start3A_36 = arith.constant 0 : i32
    %dma_start3A_37 = tpu.memref_slice %arg5[%dma_start3A_32, %dma_start3A_36] : memref<200x128xi32, #tpu.memory_space<vmem>> -> memref<1x128xi32, #tpu.memory_space<vmem>>
    %dma_start3A_38 = tpu.memref_squeeze %dma_start3A_37 : memref<1x128xi32, #tpu.memory_space<vmem>> -> memref<128xi32, #tpu.memory_space<vmem>>
    %dma_start3A_39 = arith.constant 0 : i32
    %dma_start3A_40 = arith.constant 0 : i32
    %dma_start3A_41 = tpu.memref_slice %arg3[%dma_start3A_39, %dma_start3A_40] : memref<1000000x64xf32, #tpu.memory_space<hbm>> -> memref<1000000x64xf32, #tpu.memory_space<hbm>>
    tpu.enqueue_indirect_dma source(%dma_start3A_41 : memref<1000000x64xf32, #tpu.memory_space<hbm>>) target(%dma_start3A_35 : memref<128x64xf32, #tpu.memory_space<vmem>>) offsets(%dma_start3A_38 : memref<128xi32, #tpu.memory_space<vmem>>) semaphore(%arg8 : memref<!tpu.dma_semaphore, #tpu.memory_space<semaphore_mem>>)
    %scan3A = arith.constant 0 : i32
    %scan3A_42 = arith.constant 25 : i32
    %scan3A_43 = arith.addi %scan3A, %scan3A_42 : i32
    %scan3A_44 = arith.constant 1 : i32
    scf.for %scan3A_57 = %scan3A to %scan3A_43 step %scan3A_44  : i32 {
      %mul3A_58 = arith.constant 1 : i32
      %mul3A_59 = arith.muli %scan3A_57, %mul3A_58 : i32
      %add3A_60 = arith.constant 0 : i32
      %add3A_61 = arith.addi %add3A_60, %mul3A_59 : i32
      %mul3A_62 = arith.constant 2 : i32
      %mul3A_63 = arith.muli %mul3A_62, %add3A_61 : i32
      %add3A_64 = arith.constant 0 : i32
      %add3A_65 = arith.addi %mul3A_63, %add3A_64 : i32
      %mul3A_66 = arith.constant 4 : i32
      %mul3A_67 = arith.muli %add3A_65, %mul3A_66 : i32
      %add3A_68 = arith.constant 0 : i32
      %add3A_69 = arith.addi %mul3A_67, %add3A_68 : i32
      %dma_wait3A_70 = arith.constant 0 : i32
      %dma_wait3A_71 = arith.constant 0 : i32
      %dma_wait3A_72 = tpu.memref_slice %arg6[%dma_wait3A_70, %dma_wait3A_71] : memref<512x64xf32, #tpu.memory_space<vmem>> -> memref<128x64xf32, #tpu.memory_space<vmem>>
      %dma_wait3A_73 = arith.constant 0 : i32
      %dma_wait3A_74 = tpu.memref_slice %arg5[%add3A_69, %dma_wait3A_73] : memref<200x128xi32, #tpu.memory_space<vmem>> -> memref<1x128xi32, #tpu.memory_space<vmem>>
      %dma_wait3A_75 = tpu.memref_squeeze %dma_wait3A_74 : memref<1x128xi32, #tpu.memory_space<vmem>> -> memref<128xi32, #tpu.memory_space<vmem>>
      %dma_wait3A_76 = arith.constant 0 : i32
      %dma_wait3A_77 = arith.constant 0 : i32
      %dma_wait3A_78 = tpu.memref_slice %arg3[%dma_wait3A_76, %dma_wait3A_77] : memref<1000000x64xf32, #tpu.memory_space<hbm>> -> memref<1000000x64xf32, #tpu.memory_space<hbm>>
      tpu.wait_indirect_dma semaphore(%arg8 : memref<!tpu.dma_semaphore, #tpu.memory_space<semaphore_mem>>) src(%dma_wait3A_78 : memref<1000000x64xf32, #tpu.memory_space<hbm>>) dst(%dma_wait3A_72 : memref<128x64xf32, #tpu.memory_space<vmem>>)
      %mul3A_79 = arith.constant 4 : i32
      %mul3A_80 = arith.muli %add3A_65, %mul3A_79 : i32
      %add3A_81 = arith.constant 1 : i32
      %add3A_82 = arith.addi %mul3A_80, %add3A_81 : i32
      %dma_wait3A_83 = arith.constant 128 : i32
      %dma_wait3A_84 = arith.constant 0 : i32
      %dma_wait3A_85 = tpu.memref_slice %arg6[%dma_wait3A_83, %dma_wait3A_84] : memref<512x64xf32, #tpu.memory_space<vmem>> -> memref<128x64xf32, #tpu.memory_space<vmem>>
      %dma_wait3A_86 = arith.constant 0 : i32
      %dma_wait3A_87 = tpu.memref_slice %arg5[%add3A_82, %dma_wait3A_86] : memref<200x128xi32, #tpu.memory_space<vmem>> -> memref<1x128xi32, #tpu.memory_space<vmem>>
      %dma_wait3A_88 = tpu.memref_squeeze %dma_wait3A_87 : memref<1x128xi32, #tpu.memory_space<vmem>> -> memref<128xi32, #tpu.memory_space<vmem>>
      %dma_wait3A_89 = arith.constant 0 : i32
      %dma_wait3A_90 = arith.constant 0 : i32
      %dma_wait3A_91 = tpu.memref_slice %arg3[%dma_wait3A_89, %dma_wait3A_90] : memref<1000000x64xf32, #tpu.memory_space<hbm>> -> memref<1000000x64xf32, #tpu.memory_space<hbm>>
      tpu.wait_indirect_dma semaphore(%arg8 : memref<!tpu.dma_semaphore, #tpu.memory_space<semaphore_mem>>) src(%dma_wait3A_91 : memref<1000000x64xf32, #tpu.memory_space<hbm>>) dst(%dma_wait3A_85 : memref<128x64xf32, #tpu.memory_space<vmem>>)
      %mul3A_92 = arith.constant 4 : i32
      %mul3A_93 = arith.muli %add3A_65, %mul3A_92 : i32
      %add3A_94 = arith.constant 2 : i32
      %add3A_95 = arith.addi %mul3A_93, %add3A_94 : i32
      %dma_wait3A_96 = arith.constant 256 : i32
      %dma_wait3A_97 = arith.constant 0 : i32
      %dma_wait3A_98 = tpu.memref_slice %arg6[%dma_wait3A_96, %dma_wait3A_97] : memref<512x64xf32, #tpu.memory_space<vmem>> -> memref<128x64xf32, #tpu.memory_space<vmem>>
      %dma_wait3A_99 = arith.constant 0 : i32
      %dma_wait3A_100 = tpu.memref_slice %arg5[%add3A_95, %dma_wait3A_99] : memref<200x128xi32, #tpu.memory_space<vmem>> -> memref<1x128xi32, #tpu.memory_space<vmem>>
      %dma_wait3A_101 = tpu.memref_squeeze %dma_wait3A_100 : memref<1x128xi32, #tpu.memory_space<vmem>> -> memref<128xi32, #tpu.memory_space<vmem>>
      %dma_wait3A_102 = arith.constant 0 : i32
      %dma_wait3A_103 = arith.constant 0 : i32
      %dma_wait3A_104 = tpu.memref_slice %arg3[%dma_wait3A_102, %dma_wait3A_103] : memref<1000000x64xf32, #tpu.memory_space<hbm>> -> memref<1000000x64xf32, #tpu.memory_space<hbm>>
      tpu.wait_indirect_dma semaphore(%arg8 : memref<!tpu.dma_semaphore, #tpu.memory_space<semaphore_mem>>) src(%dma_wait3A_104 : memref<1000000x64xf32, #tpu.memory_space<hbm>>) dst(%dma_wait3A_98 : memref<128x64xf32, #tpu.memory_space<vmem>>)
      %mul3A_105 = arith.constant 4 : i32
      %mul3A_106 = arith.muli %add3A_65, %mul3A_105 : i32
      %add3A_107 = arith.constant 3 : i32
      %add3A_108 = arith.addi %mul3A_106, %add3A_107 : i32
      %dma_wait3A_109 = arith.constant 384 : i32
      %dma_wait3A_110 = arith.constant 0 : i32
      %dma_wait3A_111 = tpu.memref_slice %arg6[%dma_wait3A_109, %dma_wait3A_110] : memref<512x64xf32, #tpu.memory_space<vmem>> -> memref<128x64xf32, #tpu.memory_space<vmem>>
      %dma_wait3A_112 = arith.constant 0 : i32
      %dma_wait3A_113 = tpu.memref_slice %arg5[%add3A_108, %dma_wait3A_112] : memref<200x128xi32, #tpu.memory_space<vmem>> -> memref<1x128xi32, #tpu.memory_space<vmem>>
      %dma_wait3A_114 = tpu.memref_squeeze %dma_wait3A_113 : memref<1x128xi32, #tpu.memory_space<vmem>> -> memref<128xi32, #tpu.memory_space<vmem>>
      %dma_wait3A_115 = arith.constant 0 : i32
      %dma_wait3A_116 = arith.constant 0 : i32
      %dma_wait3A_117 = tpu.memref_slice %arg3[%dma_wait3A_115, %dma_wait3A_116] : memref<1000000x64xf32, #tpu.memory_space<hbm>> -> memref<1000000x64xf32, #tpu.memory_space<hbm>>
      tpu.wait_indirect_dma semaphore(%arg8 : memref<!tpu.dma_semaphore, #tpu.memory_space<semaphore_mem>>) src(%dma_wait3A_117 : memref<1000000x64xf32, #tpu.memory_space<hbm>>) dst(%dma_wait3A_111 : memref<128x64xf32, #tpu.memory_space<vmem>>)
      %ge3A = arith.constant 1 : i32
      %ge3A_118 = arith.cmpi sge, %add3A_65, %ge3A : i32
      %add3A_119 = arith.constant 1 : i32
      %add3A_120 = arith.addi %add3A_65, %add3A_119 : i32
      %lt3A = arith.constant 50 : i32
      %lt3A_121 = arith.cmpi slt, %add3A_120, %lt3A : i32
      %and3A = arith.andi %ge3A_118, %lt3A_121 : i1
      %convert_element_type3A = arith.extui %and3A : i1 to i32
      %cond3A = arith.constant 0 : i32
      %cond3A_122 = arith.cmpi ne, %convert_element_type3A, %cond3A : i32
      scf.if %cond3A_122 {
        %sub3A = arith.constant 1 : i32
        %sub3A_217 = arith.subi %add3A_65, %sub3A : i32
        %mul3A_218 = arith.constant 512 : i32
        %mul3A_219 = arith.muli %sub3A_217, %mul3A_218 : i32
        %add3A_220 = arith.addi %mul3A_2, %mul3A_219 : i32
        %dma_wait3A_221 = arith.constant 0 : i32
        %dma_wait3A_222 = tpu.memref_slice %arg4[%add3A_220, %dma_wait3A_221] : memref<819200x64xf32, #tpu.memory_space<hbm>> -> memref<512x64xf32, #tpu.memory_space<hbm>>
        %dma_wait3A_223 = arith.constant 0 : i32
        %dma_wait3A_224 = tpu.memref_slice %arg4[%add3A_220, %dma_wait3A_223] : memref<819200x64xf32, #tpu.memory_space<hbm>> -> memref<512x64xf32, #tpu.memory_space<hbm>>
        tpu.wait_dma2 semaphore(%arg11 : memref<!tpu.dma_semaphore, #tpu.memory_space<semaphore_mem>>) src(%arg7 : memref<512x64xf32, #tpu.memory_space<vmem>>) dst(%dma_wait3A_224 : memref<512x64xf32, #tpu.memory_space<hbm>>)
      } else {
      }
      %add3A_123 = arith.constant 1 : i32
      %add3A_124 = arith.addi %add3A_65, %add3A_123 : i32
      %lt3A_125 = arith.constant 50 : i32
      %lt3A_126 = arith.cmpi slt, %add3A_124, %lt3A_125 : i32
      %convert_element_type3A_127 = arith.extui %lt3A_126 : i1 to i32
      %cond3A_128 = arith.constant 0 : i32
      %cond3A_129 = arith.cmpi ne, %convert_element_type3A_127, %cond3A_128 : i32
      scf.if %cond3A_129 {
        %add3A_217 = arith.constant 1 : i32
        %add3A_218 = arith.addi %add3A_65, %add3A_217 : i32
        %mul3A_219 = arith.constant 4 : i32
        %mul3A_220 = arith.muli %add3A_218, %mul3A_219 : i32
        %add3A_221 = arith.constant 0 : i32
        %add3A_222 = arith.addi %mul3A_220, %add3A_221 : i32
        %dma_start3A_223 = arith.constant 0 : i32
        %dma_start3A_224 = arith.constant 0 : i32
        %dma_start3A_225 = tpu.memref_slice %arg7[%dma_start3A_223, %dma_start3A_224] : memref<512x64xf32, #tpu.memory_space<vmem>> -> memref<128x64xf32, #tpu.memory_space<vmem>>
        %dma_start3A_226 = arith.constant 0 : i32
        %dma_start3A_227 = tpu.memref_slice %arg5[%add3A_222, %dma_start3A_226] : memref<200x128xi32, #tpu.memory_space<vmem>> -> memref<1x128xi32, #tpu.memory_space<vmem>>
        %dma_start3A_228 = tpu.memref_squeeze %dma_start3A_227 : memref<1x128xi32, #tpu.memory_space<vmem>> -> memref<128xi32, #tpu.memory_space<vmem>>
        %dma_start3A_229 = arith.constant 0 : i32
        %dma_start3A_230 = arith.constant 0 : i32
        %dma_start3A_231 = tpu.memref_slice %arg3[%dma_start3A_229, %dma_start3A_230] : memref<1000000x64xf32, #tpu.memory_space<hbm>> -> memref<1000000x64xf32, #tpu.memory_space<hbm>>
        tpu.enqueue_indirect_dma source(%dma_start3A_231 : memref<1000000x64xf32, #tpu.memory_space<hbm>>) target(%dma_start3A_225 : memref<128x64xf32, #tpu.memory_space<vmem>>) offsets(%dma_start3A_228 : memref<128xi32, #tpu.memory_space<vmem>>) semaphore(%arg9 : memref<!tpu.dma_semaphore, #tpu.memory_space<semaphore_mem>>)
        %mul3A_232 = arith.constant 4 : i32
        %mul3A_233 = arith.muli %add3A_218, %mul3A_232 : i32
        %add3A_234 = arith.constant 1 : i32
        %add3A_235 = arith.addi %mul3A_233, %add3A_234 : i32
        %dma_start3A_236 = arith.constant 128 : i32
        %dma_start3A_237 = arith.constant 0 : i32
        %dma_start3A_238 = tpu.memref_slice %arg7[%dma_start3A_236, %dma_start3A_237] : memref<512x64xf32, #tpu.memory_space<vmem>> -> memref<128x64xf32, #tpu.memory_space<vmem>>
        %dma_start3A_239 = arith.constant 0 : i32
        %dma_start3A_240 = tpu.memref_slice %arg5[%add3A_235, %dma_start3A_239] : memref<200x128xi32, #tpu.memory_space<vmem>> -> memref<1x128xi32, #tpu.memory_space<vmem>>
        %dma_start3A_241 = tpu.memref_squeeze %dma_start3A_240 : memref<1x128xi32, #tpu.memory_space<vmem>> -> memref<128xi32, #tpu.memory_space<vmem>>
        %dma_start3A_242 = arith.constant 0 : i32
        %dma_start3A_243 = arith.constant 0 : i32
        %dma_start3A_244 = tpu.memref_slice %arg3[%dma_start3A_242, %dma_start3A_243] : memref<1000000x64xf32, #tpu.memory_space<hbm>> -> memref<1000000x64xf32, #tpu.memory_space<hbm>>
        tpu.enqueue_indirect_dma source(%dma_start3A_244 : memref<1000000x64xf32, #tpu.memory_space<hbm>>) target(%dma_start3A_238 : memref<128x64xf32, #tpu.memory_space<vmem>>) offsets(%dma_start3A_241 : memref<128xi32, #tpu.memory_space<vmem>>) semaphore(%arg9 : memref<!tpu.dma_semaphore, #tpu.memory_space<semaphore_mem>>)
        %mul3A_245 = arith.constant 4 : i32
        %mul3A_246 = arith.muli %add3A_218, %mul3A_245 : i32
        %add3A_247 = arith.constant 2 : i32
        %add3A_248 = arith.addi %mul3A_246, %add3A_247 : i32
        %dma_start3A_249 = arith.constant 256 : i32
        %dma_start3A_250 = arith.constant 0 : i32
        %dma_start3A_251 = tpu.memref_slice %arg7[%dma_start3A_249, %dma_start3A_250] : memref<512x64xf32, #tpu.memory_space<vmem>> -> memref<128x64xf32, #tpu.memory_space<vmem>>
        %dma_start3A_252 = arith.constant 0 : i32
        %dma_start3A_253 = tpu.memref_slice %arg5[%add3A_248, %dma_start3A_252] : memref<200x128xi32, #tpu.memory_space<vmem>> -> memref<1x128xi32, #tpu.memory_space<vmem>>
        %dma_start3A_254 = tpu.memref_squeeze %dma_start3A_253 : memref<1x128xi32, #tpu.memory_space<vmem>> -> memref<128xi32, #tpu.memory_space<vmem>>
        %dma_start3A_255 = arith.constant 0 : i32
        %dma_start3A_256 = arith.constant 0 : i32
        %dma_start3A_257 = tpu.memref_slice %arg3[%dma_start3A_255, %dma_start3A_256] : memref<1000000x64xf32, #tpu.memory_space<hbm>> -> memref<1000000x64xf32, #tpu.memory_space<hbm>>
        tpu.enqueue_indirect_dma source(%dma_start3A_257 : memref<1000000x64xf32, #tpu.memory_space<hbm>>) target(%dma_start3A_251 : memref<128x64xf32, #tpu.memory_space<vmem>>) offsets(%dma_start3A_254 : memref<128xi32, #tpu.memory_space<vmem>>) semaphore(%arg9 : memref<!tpu.dma_semaphore, #tpu.memory_space<semaphore_mem>>)
        %mul3A_258 = arith.constant 4 : i32
        %mul3A_259 = arith.muli %add3A_218, %mul3A_258 : i32
        %add3A_260 = arith.constant 3 : i32
        %add3A_261 = arith.addi %mul3A_259, %add3A_260 : i32
        %dma_start3A_262 = arith.constant 384 : i32
        %dma_start3A_263 = arith.constant 0 : i32
        %dma_start3A_264 = tpu.memref_slice %arg7[%dma_start3A_262, %dma_start3A_263] : memref<512x64xf32, #tpu.memory_space<vmem>> -> memref<128x64xf32, #tpu.memory_space<vmem>>
        %dma_start3A_265 = arith.constant 0 : i32
        %dma_start3A_266 = tpu.memref_slice %arg5[%add3A_261, %dma_start3A_265] : memref<200x128xi32, #tpu.memory_space<vmem>> -> memref<1x128xi32, #tpu.memory_space<vmem>>
        %dma_start3A_267 = tpu.memref_squeeze %dma_start3A_266 : memref<1x128xi32, #tpu.memory_space<vmem>> -> memref<128xi32, #tpu.memory_space<vmem>>
        %dma_start3A_268 = arith.constant 0 : i32
        %dma_start3A_269 = arith.constant 0 : i32
        %dma_start3A_270 = tpu.memref_slice %arg3[%dma_start3A_268, %dma_start3A_269] : memref<1000000x64xf32, #tpu.memory_space<hbm>> -> memref<1000000x64xf32, #tpu.memory_space<hbm>>
        tpu.enqueue_indirect_dma source(%dma_start3A_270 : memref<1000000x64xf32, #tpu.memory_space<hbm>>) target(%dma_start3A_264 : memref<128x64xf32, #tpu.memory_space<vmem>>) offsets(%dma_start3A_267 : memref<128xi32, #tpu.memory_space<vmem>>) semaphore(%arg9 : memref<!tpu.dma_semaphore, #tpu.memory_space<semaphore_mem>>)
      } else {
      }
      %mul3A_130 = arith.constant 512 : i32
      %mul3A_131 = arith.muli %add3A_65, %mul3A_130 : i32
      %add3A_132 = arith.addi %mul3A_2, %mul3A_131 : i32
      %dma_start3A_133 = arith.constant 0 : i32
      %dma_start3A_134 = tpu.memref_slice %arg4[%add3A_132, %dma_start3A_133] : memref<819200x64xf32, #tpu.memory_space<hbm>> -> memref<512x64xf32, #tpu.memory_space<hbm>>
      %dma_start3A_135 = arith.constant 0 : i32
      %dma_start3A_136 = tpu.memref_slice %arg4[%add3A_132, %dma_start3A_135] : memref<819200x64xf32, #tpu.memory_space<hbm>> -> memref<512x64xf32, #tpu.memory_space<hbm>>
      tpu.enqueue_dma source(%arg6 : memref<512x64xf32, #tpu.memory_space<vmem>>) target(%dma_start3A_136 : memref<512x64xf32, #tpu.memory_space<hbm>>) target_semaphore(%arg10 : memref<!tpu.dma_semaphore, #tpu.memory_space<semaphore_mem>>)
      %mul3A_137 = arith.constant 2 : i32
      %mul3A_138 = arith.muli %mul3A_137, %add3A_61 : i32
      %add3A_139 = arith.constant 1 : i32
      %add3A_140 = arith.addi %mul3A_138, %add3A_139 : i32
      %mul3A_141 = arith.constant 4 : i32
      %mul3A_142 = arith.muli %add3A_140, %mul3A_141 : i32
      %add3A_143 = arith.constant 0 : i32
      %add3A_144 = arith.addi %mul3A_142, %add3A_143 : i32
      %dma_wait3A_145 = arith.constant 0 : i32
      %dma_wait3A_146 = arith.constant 0 : i32
      %dma_wait3A_147 = tpu.memref_slice %arg7[%dma_wait3A_145, %dma_wait3A_146] : memref<512x64xf32, #tpu.memory_space<vmem>> -> memref<128x64xf32, #tpu.memory_space<vmem>>
      %dma_wait3A_148 = arith.constant 0 : i32
      %dma_wait3A_149 = tpu.memref_slice %arg5[%add3A_144, %dma_wait3A_148] : memref<200x128xi32, #tpu.memory_space<vmem>> -> memref<1x128xi32, #tpu.memory_space<vmem>>
      %dma_wait3A_150 = tpu.memref_squeeze %dma_wait3A_149 : memref<1x128xi32, #tpu.memory_space<vmem>> -> memref<128xi32, #tpu.memory_space<vmem>>
      %dma_wait3A_151 = arith.constant 0 : i32
      %dma_wait3A_152 = arith.constant 0 : i32
      %dma_wait3A_153 = tpu.memref_slice %arg3[%dma_wait3A_151, %dma_wait3A_152] : memref<1000000x64xf32, #tpu.memory_space<hbm>> -> memref<1000000x64xf32, #tpu.memory_space<hbm>>
      tpu.wait_indirect_dma semaphore(%arg9 : memref<!tpu.dma_semaphore, #tpu.memory_space<semaphore_mem>>) src(%dma_wait3A_153 : memref<1000000x64xf32, #tpu.memory_space<hbm>>) dst(%dma_wait3A_147 : memref<128x64xf32, #tpu.memory_space<vmem>>)
      %mul3A_154 = arith.constant 4 : i32
      %mul3A_155 = arith.muli %add3A_140, %mul3A_154 : i32
      %add3A_156 = arith.constant 1 : i32
      %add3A_157 = arith.addi %mul3A_155, %add3A_156 : i32
      %dma_wait3A_158 = arith.constant 128 : i32
      %dma_wait3A_159 = arith.constant 0 : i32
      %dma_wait3A_160 = tpu.memref_slice %arg7[%dma_wait3A_158, %dma_wait3A_159] : memref<512x64xf32, #tpu.memory_space<vmem>> -> memref<128x64xf32, #tpu.memory_space<vmem>>
      %dma_wait3A_161 = arith.constant 0 : i32
      %dma_wait3A_162 = tpu.memref_slice %arg5[%add3A_157, %dma_wait3A_161] : memref<200x128xi32, #tpu.memory_space<vmem>> -> memref<1x128xi32, #tpu.memory_space<vmem>>
      %dma_wait3A_163 = tpu.memref_squeeze %dma_wait3A_162 : memref<1x128xi32, #tpu.memory_space<vmem>> -> memref<128xi32, #tpu.memory_space<vmem>>
      %dma_wait3A_164 = arith.constant 0 : i32
      %dma_wait3A_165 = arith.constant 0 : i32
      %dma_wait3A_166 = tpu.memref_slice %arg3[%dma_wait3A_164, %dma_wait3A_165] : memref<1000000x64xf32, #tpu.memory_space<hbm>> -> memref<1000000x64xf32, #tpu.memory_space<hbm>>
      tpu.wait_indirect_dma semaphore(%arg9 : memref<!tpu.dma_semaphore, #tpu.memory_space<semaphore_mem>>) src(%dma_wait3A_166 : memref<1000000x64xf32, #tpu.memory_space<hbm>>) dst(%dma_wait3A_160 : memref<128x64xf32, #tpu.memory_space<vmem>>)
      %mul3A_167 = arith.constant 4 : i32
      %mul3A_168 = arith.muli %add3A_140, %mul3A_167 : i32
      %add3A_169 = arith.constant 2 : i32
      %add3A_170 = arith.addi %mul3A_168, %add3A_169 : i32
      %dma_wait3A_171 = arith.constant 256 : i32
      %dma_wait3A_172 = arith.constant 0 : i32
      %dma_wait3A_173 = tpu.memref_slice %arg7[%dma_wait3A_171, %dma_wait3A_172] : memref<512x64xf32, #tpu.memory_space<vmem>> -> memref<128x64xf32, #tpu.memory_space<vmem>>
      %dma_wait3A_174 = arith.constant 0 : i32
      %dma_wait3A_175 = tpu.memref_slice %arg5[%add3A_170, %dma_wait3A_174] : memref<200x128xi32, #tpu.memory_space<vmem>> -> memref<1x128xi32, #tpu.memory_space<vmem>>
      %dma_wait3A_176 = tpu.memref_squeeze %dma_wait3A_175 : memref<1x128xi32, #tpu.memory_space<vmem>> -> memref<128xi32, #tpu.memory_space<vmem>>
      %dma_wait3A_177 = arith.constant 0 : i32
      %dma_wait3A_178 = arith.constant 0 : i32
      %dma_wait3A_179 = tpu.memref_slice %arg3[%dma_wait3A_177, %dma_wait3A_178] : memref<1000000x64xf32, #tpu.memory_space<hbm>> -> memref<1000000x64xf32, #tpu.memory_space<hbm>>
      tpu.wait_indirect_dma semaphore(%arg9 : memref<!tpu.dma_semaphore, #tpu.memory_space<semaphore_mem>>) src(%dma_wait3A_179 : memref<1000000x64xf32, #tpu.memory_space<hbm>>) dst(%dma_wait3A_173 : memref<128x64xf32, #tpu.memory_space<vmem>>)
      %mul3A_180 = arith.constant 4 : i32
      %mul3A_181 = arith.muli %add3A_140, %mul3A_180 : i32
      %add3A_182 = arith.constant 3 : i32
      %add3A_183 = arith.addi %mul3A_181, %add3A_182 : i32
      %dma_wait3A_184 = arith.constant 384 : i32
      %dma_wait3A_185 = arith.constant 0 : i32
      %dma_wait3A_186 = tpu.memref_slice %arg7[%dma_wait3A_184, %dma_wait3A_185] : memref<512x64xf32, #tpu.memory_space<vmem>> -> memref<128x64xf32, #tpu.memory_space<vmem>>
      %dma_wait3A_187 = arith.constant 0 : i32
      %dma_wait3A_188 = tpu.memref_slice %arg5[%add3A_183, %dma_wait3A_187] : memref<200x128xi32, #tpu.memory_space<vmem>> -> memref<1x128xi32, #tpu.memory_space<vmem>>
      %dma_wait3A_189 = tpu.memref_squeeze %dma_wait3A_188 : memref<1x128xi32, #tpu.memory_space<vmem>> -> memref<128xi32, #tpu.memory_space<vmem>>
      %dma_wait3A_190 = arith.constant 0 : i32
      %dma_wait3A_191 = arith.constant 0 : i32
      %dma_wait3A_192 = tpu.memref_slice %arg3[%dma_wait3A_190, %dma_wait3A_191] : memref<1000000x64xf32, #tpu.memory_space<hbm>> -> memref<1000000x64xf32, #tpu.memory_space<hbm>>
      tpu.wait_indirect_dma semaphore(%arg9 : memref<!tpu.dma_semaphore, #tpu.memory_space<semaphore_mem>>) src(%dma_wait3A_192 : memref<1000000x64xf32, #tpu.memory_space<hbm>>) dst(%dma_wait3A_186 : memref<128x64xf32, #tpu.memory_space<vmem>>)
      %ge3A_193 = arith.constant 1 : i32
      %ge3A_194 = arith.cmpi sge, %add3A_140, %ge3A_193 : i32
      %add3A_195 = arith.constant 1 : i32
      %add3A_196 = arith.addi %add3A_140, %add3A_195 : i32
      %lt3A_197 = arith.constant 50 : i32
      %lt3A_198 = arith.cmpi slt, %add3A_196, %lt3A_197 : i32
      %and3A_199 = arith.andi %ge3A_194, %lt3A_198 : i1
      %convert_element_type3A_200 = arith.extui %and3A_199 : i1 to i32
      %cond3A_201 = arith.constant 0 : i32
      %cond3A_202 = arith.cmpi ne, %convert_element_type3A_200, %cond3A_201 : i32
      scf.if %cond3A_202 {
        %sub3A = arith.constant 1 : i32
        %sub3A_217 = arith.subi %add3A_140, %sub3A : i32
        %mul3A_218 = arith.constant 512 : i32
        %mul3A_219 = arith.muli %sub3A_217, %mul3A_218 : i32
        %add3A_220 = arith.addi %mul3A_2, %mul3A_219 : i32
        %dma_wait3A_221 = arith.constant 0 : i32
        %dma_wait3A_222 = tpu.memref_slice %arg4[%add3A_220, %dma_wait3A_221] : memref<819200x64xf32, #tpu.memory_space<hbm>> -> memref<512x64xf32, #tpu.memory_space<hbm>>
        %dma_wait3A_223 = arith.constant 0 : i32
        %dma_wait3A_224 = tpu.memref_slice %arg4[%add3A_220, %dma_wait3A_223] : memref<819200x64xf32, #tpu.memory_space<hbm>> -> memref<512x64xf32, #tpu.memory_space<hbm>>
        tpu.wait_dma2 semaphore(%arg10 : memref<!tpu.dma_semaphore, #tpu.memory_space<semaphore_mem>>) src(%arg6 : memref<512x64xf32, #tpu.memory_space<vmem>>) dst(%dma_wait3A_224 : memref<512x64xf32, #tpu.memory_space<hbm>>)
      } else {
      }
      %add3A_203 = arith.constant 1 : i32
      %add3A_204 = arith.addi %add3A_140, %add3A_203 : i32
      %lt3A_205 = arith.constant 50 : i32
      %lt3A_206 = arith.cmpi slt, %add3A_204, %lt3A_205 : i32
      %convert_element_type3A_207 = arith.extui %lt3A_206 : i1 to i32
      %cond3A_208 = arith.constant 0 : i32
      %cond3A_209 = arith.cmpi ne, %convert_element_type3A_207, %cond3A_208 : i32
      scf.if %cond3A_209 {
        %add3A_217 = arith.constant 1 : i32
        %add3A_218 = arith.addi %add3A_140, %add3A_217 : i32
        %mul3A_219 = arith.constant 4 : i32
        %mul3A_220 = arith.muli %add3A_218, %mul3A_219 : i32
        %add3A_221 = arith.constant 0 : i32
        %add3A_222 = arith.addi %mul3A_220, %add3A_221 : i32
        %dma_start3A_223 = arith.constant 0 : i32
        %dma_start3A_224 = arith.constant 0 : i32
        %dma_start3A_225 = tpu.memref_slice %arg6[%dma_start3A_223, %dma_start3A_224] : memref<512x64xf32, #tpu.memory_space<vmem>> -> memref<128x64xf32, #tpu.memory_space<vmem>>
        %dma_start3A_226 = arith.constant 0 : i32
        %dma_start3A_227 = tpu.memref_slice %arg5[%add3A_222, %dma_start3A_226] : memref<200x128xi32, #tpu.memory_space<vmem>> -> memref<1x128xi32, #tpu.memory_space<vmem>>
        %dma_start3A_228 = tpu.memref_squeeze %dma_start3A_227 : memref<1x128xi32, #tpu.memory_space<vmem>> -> memref<128xi32, #tpu.memory_space<vmem>>
        %dma_start3A_229 = arith.constant 0 : i32
        %dma_start3A_230 = arith.constant 0 : i32
        %dma_start3A_231 = tpu.memref_slice %arg3[%dma_start3A_229, %dma_start3A_230] : memref<1000000x64xf32, #tpu.memory_space<hbm>> -> memref<1000000x64xf32, #tpu.memory_space<hbm>>
        tpu.enqueue_indirect_dma source(%dma_start3A_231 : memref<1000000x64xf32, #tpu.memory_space<hbm>>) target(%dma_start3A_225 : memref<128x64xf32, #tpu.memory_space<vmem>>) offsets(%dma_start3A_228 : memref<128xi32, #tpu.memory_space<vmem>>) semaphore(%arg8 : memref<!tpu.dma_semaphore, #tpu.memory_space<semaphore_mem>>)
        %mul3A_232 = arith.constant 4 : i32
        %mul3A_233 = arith.muli %add3A_218, %mul3A_232 : i32
        %add3A_234 = arith.constant 1 : i32
        %add3A_235 = arith.addi %mul3A_233, %add3A_234 : i32
        %dma_start3A_236 = arith.constant 128 : i32
        %dma_start3A_237 = arith.constant 0 : i32
        %dma_start3A_238 = tpu.memref_slice %arg6[%dma_start3A_236, %dma_start3A_237] : memref<512x64xf32, #tpu.memory_space<vmem>> -> memref<128x64xf32, #tpu.memory_space<vmem>>
        %dma_start3A_239 = arith.constant 0 : i32
        %dma_start3A_240 = tpu.memref_slice %arg5[%add3A_235, %dma_start3A_239] : memref<200x128xi32, #tpu.memory_space<vmem>> -> memref<1x128xi32, #tpu.memory_space<vmem>>
        %dma_start3A_241 = tpu.memref_squeeze %dma_start3A_240 : memref<1x128xi32, #tpu.memory_space<vmem>> -> memref<128xi32, #tpu.memory_space<vmem>>
        %dma_start3A_242 = arith.constant 0 : i32
        %dma_start3A_243 = arith.constant 0 : i32
        %dma_start3A_244 = tpu.memref_slice %arg3[%dma_start3A_242, %dma_start3A_243] : memref<1000000x64xf32, #tpu.memory_space<hbm>> -> memref<1000000x64xf32, #tpu.memory_space<hbm>>
        tpu.enqueue_indirect_dma source(%dma_start3A_244 : memref<1000000x64xf32, #tpu.memory_space<hbm>>) target(%dma_start3A_238 : memref<128x64xf32, #tpu.memory_space<vmem>>) offsets(%dma_start3A_241 : memref<128xi32, #tpu.memory_space<vmem>>) semaphore(%arg8 : memref<!tpu.dma_semaphore, #tpu.memory_space<semaphore_mem>>)
        %mul3A_245 = arith.constant 4 : i32
        %mul3A_246 = arith.muli %add3A_218, %mul3A_245 : i32
        %add3A_247 = arith.constant 2 : i32
        %add3A_248 = arith.addi %mul3A_246, %add3A_247 : i32
        %dma_start3A_249 = arith.constant 256 : i32
        %dma_start3A_250 = arith.constant 0 : i32
        %dma_start3A_251 = tpu.memref_slice %arg6[%dma_start3A_249, %dma_start3A_250] : memref<512x64xf32, #tpu.memory_space<vmem>> -> memref<128x64xf32, #tpu.memory_space<vmem>>
        %dma_start3A_252 = arith.constant 0 : i32
        %dma_start3A_253 = tpu.memref_slice %arg5[%add3A_248, %dma_start3A_252] : memref<200x128xi32, #tpu.memory_space<vmem>> -> memref<1x128xi32, #tpu.memory_space<vmem>>
        %dma_start3A_254 = tpu.memref_squeeze %dma_start3A_253 : memref<1x128xi32, #tpu.memory_space<vmem>> -> memref<128xi32, #tpu.memory_space<vmem>>
        %dma_start3A_255 = arith.constant 0 : i32
        %dma_start3A_256 = arith.constant 0 : i32
        %dma_start3A_257 = tpu.memref_slice %arg3[%dma_start3A_255, %dma_start3A_256] : memref<1000000x64xf32, #tpu.memory_space<hbm>> -> memref<1000000x64xf32, #tpu.memory_space<hbm>>
        tpu.enqueue_indirect_dma source(%dma_start3A_257 : memref<1000000x64xf32, #tpu.memory_space<hbm>>) target(%dma_start3A_251 : memref<128x64xf32, #tpu.memory_space<vmem>>) offsets(%dma_start3A_254 : memref<128xi32, #tpu.memory_space<vmem>>) semaphore(%arg8 : memref<!tpu.dma_semaphore, #tpu.memory_space<semaphore_mem>>)
        %mul3A_258 = arith.constant 4 : i32
        %mul3A_259 = arith.muli %add3A_218, %mul3A_258 : i32
        %add3A_260 = arith.constant 3 : i32
        %add3A_261 = arith.addi %mul3A_259, %add3A_260 : i32
        %dma_start3A_262 = arith.constant 384 : i32
        %dma_start3A_263 = arith.constant 0 : i32
        %dma_start3A_264 = tpu.memref_slice %arg6[%dma_start3A_262, %dma_start3A_263] : memref<512x64xf32, #tpu.memory_space<vmem>> -> memref<128x64xf32, #tpu.memory_space<vmem>>
        %dma_start3A_265 = arith.constant 0 : i32
        %dma_start3A_266 = tpu.memref_slice %arg5[%add3A_261, %dma_start3A_265] : memref<200x128xi32, #tpu.memory_space<vmem>> -> memref<1x128xi32, #tpu.memory_space<vmem>>
        %dma_start3A_267 = tpu.memref_squeeze %dma_start3A_266 : memref<1x128xi32, #tpu.memory_space<vmem>> -> memref<128xi32, #tpu.memory_space<vmem>>
        %dma_start3A_268 = arith.constant 0 : i32
        %dma_start3A_269 = arith.constant 0 : i32
        %dma_start3A_270 = tpu.memref_slice %arg3[%dma_start3A_268, %dma_start3A_269] : memref<1000000x64xf32, #tpu.memory_space<hbm>> -> memref<1000000x64xf32, #tpu.memory_space<hbm>>
        tpu.enqueue_indirect_dma source(%dma_start3A_270 : memref<1000000x64xf32, #tpu.memory_space<hbm>>) target(%dma_start3A_264 : memref<128x64xf32, #tpu.memory_space<vmem>>) offsets(%dma_start3A_267 : memref<128xi32, #tpu.memory_space<vmem>>) semaphore(%arg8 : memref<!tpu.dma_semaphore, #tpu.memory_space<semaphore_mem>>)
      } else {
      }
      %mul3A_210 = arith.constant 512 : i32
      %mul3A_211 = arith.muli %add3A_140, %mul3A_210 : i32
      %add3A_212 = arith.addi %mul3A_2, %mul3A_211 : i32
      %dma_start3A_213 = arith.constant 0 : i32
      %dma_start3A_214 = tpu.memref_slice %arg4[%add3A_212, %dma_start3A_213] : memref<819200x64xf32, #tpu.memory_space<hbm>> -> memref<512x64xf32, #tpu.memory_space<hbm>>
      %dma_start3A_215 = arith.constant 0 : i32
      %dma_start3A_216 = tpu.memref_slice %arg4[%add3A_212, %dma_start3A_215] : memref<819200x64xf32, #tpu.memory_space<hbm>> -> memref<512x64xf32, #tpu.memory_space<hbm>>
      tpu.enqueue_dma source(%arg7 : memref<512x64xf32, #tpu.memory_space<vmem>>) target(%dma_start3A_216 : memref<512x64xf32, #tpu.memory_space<hbm>>) target_semaphore(%arg11 : memref<!tpu.dma_semaphore, #tpu.memory_space<semaphore_mem>>)
    }
    %scan3A_45 = arith.constant 25 : i32
    %add3A_46 = arith.constant 24576 : i32
    %add3A_47 = arith.addi %mul3A_2, %add3A_46 : i32
    %dma_wait3A = arith.constant 0 : i32
    %dma_wait3A_48 = tpu.memref_slice %arg4[%add3A_47, %dma_wait3A] : memref<819200x64xf32, #tpu.memory_space<hbm>> -> memref<512x64xf32, #tpu.memory_space<hbm>>
    %dma_wait3A_49 = arith.constant 0 : i32
    %dma_wait3A_50 = tpu.memref_slice %arg4[%add3A_47, %dma_wait3A_49] : memref<819200x64xf32, #tpu.memory_space<hbm>> -> memref<512x64xf32, #tpu.memory_space<hbm>>
    tpu.wait_dma2 semaphore(%arg10 : memref<!tpu.dma_semaphore, #tpu.memory_space<semaphore_mem>>) src(%arg6 : memref<512x64xf32, #tpu.memory_space<vmem>>) dst(%dma_wait3A_50 : memref<512x64xf32, #tpu.memory_space<hbm>>)
    %add3A_51 = arith.constant 25088 : i32
    %add3A_52 = arith.addi %mul3A_2, %add3A_51 : i32
    %dma_wait3A_53 = arith.constant 0 : i32
    %dma_wait3A_54 = tpu.memref_slice %arg4[%add3A_52, %dma_wait3A_53] : memref<819200x64xf32, #tpu.memory_space<hbm>> -> memref<512x64xf32, #tpu.memory_space<hbm>>
    %dma_wait3A_55 = arith.constant 0 : i32
    %dma_wait3A_56 = tpu.memref_slice %arg4[%add3A_52, %dma_wait3A_55] : memref<819200x64xf32, #tpu.memory_space<hbm>> -> memref<512x64xf32, #tpu.memory_space<hbm>>
    tpu.wait_dma2 semaphore(%arg11 : memref<!tpu.dma_semaphore, #tpu.memory_space<semaphore_mem>>) src(%arg7 : memref<512x64xf32, #tpu.memory_space<vmem>>) dst(%dma_wait3A_56 : memref<512x64xf32, #tpu.memory_space<hbm>>)
    return
  }
}

module attributes {stable_mosaic.version = 14 : i64} {
  func.func @_mask_body(%arg0: memref<4096x200xi32, #tpu.memory_space<vmem>>, %arg1: memref<4096x200xi32, #tpu.memory_space<vmem>>) attributes {dimension_semantics = [], scalar_prefetch = 0 : i64, scratch_operands = 0 : i64, tpu.core_type = #tpu.core_type<tc>} {
    %get3A = arith.constant 0 : index
    %get3A_0 = arith.constant 0 : index
    %get3A_1 = vector.load %arg0[%get3A, %get3A_0] : memref<4096x200xi32, #tpu.memory_space<vmem>>, vector<4096x200xi32>
    %eq3A = arith.constant 0 : i32
    %eq3A_2 = vector.broadcast %eq3A : i32 to vector<4096x200xi32>
    %eq3A_3 = arith.cmpi eq, %get3A_1, %eq3A_2 : vector<4096x200xi32>
    %swap3A = arith.constant 0 : index
    %swap3A_4 = arith.constant 0 : index
    %swap3A_5 = vector.load %arg1[%swap3A, %swap3A_4] : memref<4096x200xi32, #tpu.memory_space<vmem>>, vector<4096x200xi32>
    %swap3A_6 = arith.extui %eq3A_3 : vector<4096x200xi1> to vector<4096x200xi32>
    %swap3A_7 = arith.constant dense<0> : vector<4096x200xi32>
    %swap3A_8 = arith.cmpi ne, %swap3A_5, %swap3A_7 : vector<4096x200xi32>
    tpu.vector_store %arg1[%swap3A, %swap3A_4], %swap3A_6 {strides = array<i32>} : memref<4096x200xi32, #tpu.memory_space<vmem>>, vector<4096x200xi32>,
    return
  }
}

module attributes {stable_mosaic.version = 14 : i64} {
  func.func @_shuffle_body(%arg0: i32, %arg1: memref<256x8x128xf32, #tpu.memory_space<vmem>>, %arg2: memref<1x64x4096xf32, #tpu.memory_space<vmem>>) attributes {dimension_semantics = [#tpu.dimension_semantics<arbitrary>], iteration_bounds = array<i64: 200>, scalar_prefetch = 0 : i64, scratch_operands = 0 : i64, tpu.core_type = #tpu.core_type<tc>, window_params = [{transform_indices = @transform_0, window_bounds = array<i64: 256, 8, 128>}, {transform_indices = @transform_1, window_bounds = array<i64: 1, 64, 4096>}]} {
    %iota3A = tpu.iota {dimensions = array<i32: 0>} : vector<64x128xi32>
    %iota3A_0 = tpu.iota {dimensions = array<i32: 1>} : vector<64x128xi32>
    %mul3A = arith.constant 2 : i32
    %mul3A_1 = vector.broadcast %mul3A : i32 to vector<64x128xi32>
    %mul3A_2 = arith.muli %mul3A_1, %iota3A : vector<64x128xi32>
    %eq3A = arith.cmpi eq, %iota3A_0, %mul3A_2 : vector<64x128xi32>
    %convert_element_type3A = arith.extui %eq3A : vector<64x128xi1> to vector<64x128xi32>
    %convert_element_type3A_3 = arith.sitofp %convert_element_type3A : vector<64x128xi32> to vector<64x128xf32>
    %mul3A_4 = arith.constant 2 : i32
    %mul3A_5 = vector.broadcast %mul3A_4 : i32 to vector<64x128xi32>
    %mul3A_6 = arith.muli %mul3A_5, %iota3A : vector<64x128xi32>
    %add3A = arith.constant 1 : i32
    %add3A_7 = vector.broadcast %add3A : i32 to vector<64x128xi32>
    %add3A_8 = arith.addi %mul3A_6, %add3A_7 : vector<64x128xi32>
    %eq3A_9 = arith.cmpi eq, %iota3A_0, %add3A_8 : vector<64x128xi32>
    %convert_element_type3A_10 = arith.extui %eq3A_9 : vector<64x128xi1> to vector<64x128xi32>
    %convert_element_type3A_11 = arith.sitofp %convert_element_type3A_10 : vector<64x128xi32> to vector<64x128xf32>
    %get3A = arith.constant 0 : index
    %get3A_12 = arith.constant 0 : index
    %get3A_13 = arith.constant 0 : index
    %get3A_14 = vector.load %arg1[%get3A, %get3A_12, %get3A_13] : memref<256x8x128xf32, #tpu.memory_space<vmem>>, vector<8x8x128xf32>
    %reshape3A = vector.shape_cast %get3A_14 : vector<8x8x128xf32> to vector<64x128xf32>
    %slice3A = vector.extract_strided_slice %reshape3A {offsets = [0, 0], sizes = [64, 64], strides = [1, 1]} : vector<64x128xf32> to vector<64x64xf32>
    %slice3A_15 = vector.extract_strided_slice %reshape3A {offsets = [0, 64], sizes = [64, 64], strides = [1, 1]} : vector<64x128xf32> to vector<64x64xf32>
    %dot_general3A = arith.constant dense<0.000000e+00> : vector<64x128xf32>
    %dot_general3A_16 = tpu.matmul %slice3A, %convert_element_type3A_3, %dot_general3A {dimension_numbers = #tpu.dot_dimension_numbers<[0], [0], [1], [1], [0, 1, 1, 1], [], []>, transpose_lhs_hint = false} : vector<64x64xf32>, vector<64x128xf32>, vector<64x128xf32> -> vector<64x128xf32>
    %dot_general3A_17 = arith.constant dense<0.000000e+00> : vector<64x128xf32>
    %dot_general3A_18 = tpu.matmul %slice3A_15, %convert_element_type3A_11, %dot_general3A_17 {dimension_numbers = #tpu.dot_dimension_numbers<[0], [0], [1], [1], [0, 1, 1, 1], [], []>, transpose_lhs_hint = false} : vector<64x64xf32>, vector<64x128xf32>, vector<64x128xf32> -> vector<64x128xf32>
    %add3A_19 = arith.addf %dot_general3A_16, %dot_general3A_18 : vector<64x128xf32>
    %get3A_20 = arith.constant 8 : index
    %get3A_21 = arith.constant 0 : index
    %get3A_22 = arith.constant 0 : index
    %get3A_23 = vector.load %arg1[%get3A_20, %get3A_21, %get3A_22] : memref<256x8x128xf32, #tpu.memory_space<vmem>>, vector<8x8x128xf32>
    %reshape3A_24 = vector.shape_cast %get3A_23 : vector<8x8x128xf32> to vector<64x128xf32>
    %slice3A_25 = vector.extract_strided_slice %reshape3A_24 {offsets = [0, 0], sizes = [64, 64], strides = [1, 1]} : vector<64x128xf32> to vector<64x64xf32>
    %slice3A_26 = vector.extract_strided_slice %reshape3A_24 {offsets = [0, 64], sizes = [64, 64], strides = [1, 1]} : vector<64x128xf32> to vector<64x64xf32>
    %dot_general3A_27 = arith.constant dense<0.000000e+00> : vector<64x128xf32>
    %dot_general3A_28 = tpu.matmul %slice3A_25, %convert_element_type3A_3, %dot_general3A_27 {dimension_numbers = #tpu.dot_dimension_numbers<[0], [0], [1], [1], [0, 1, 1, 1], [], []>, transpose_lhs_hint = false} : vector<64x64xf32>, vector<64x128xf32>, vector<64x128xf32> -> vector<64x128xf32>
    %dot_general3A_29 = arith.constant dense<0.000000e+00> : vector<64x128xf32>
    %dot_general3A_30 = tpu.matmul %slice3A_26, %convert_element_type3A_11, %dot_general3A_29 {dimension_numbers = #tpu.dot_dimension_numbers<[0], [0], [1], [1], [0, 1, 1, 1], [], []>, transpose_lhs_hint = false} : vector<64x64xf32>, vector<64x128xf32>, vector<64x128xf32> -> vector<64x128xf32>
    %add3A_31 = arith.addf %dot_general3A_28, %dot_general3A_30 : vector<64x128xf32>
    %get3A_32 = arith.constant 16 : index
    %get3A_33 = arith.constant 0 : index
    %get3A_34 = arith.constant 0 : index
    %get3A_35 = vector.load %arg1[%get3A_32, %get3A_33, %get3A_34] : memref<256x8x128xf32, #tpu.memory_space<vmem>>, vector<8x8x128xf32>
    %reshape3A_36 = vector.shape_cast %get3A_35 : vector<8x8x128xf32> to vector<64x128xf32>
    %slice3A_37 = vector.extract_strided_slice %reshape3A_36 {offsets = [0, 0], sizes = [64, 64], strides = [1, 1]} : vector<64x128xf32> to vector<64x64xf32>
    %slice3A_38 = vector.extract_strided_slice %reshape3A_36 {offsets = [0, 64], sizes = [64, 64], strides = [1, 1]} : vector<64x128xf32> to vector<64x64xf32>
    %dot_general3A_39 = arith.constant dense<0.000000e+00> : vector<64x128xf32>
    %dot_general3A_40 = tpu.matmul %slice3A_37, %convert_element_type3A_3, %dot_general3A_39 {dimension_numbers = #tpu.dot_dimension_numbers<[0], [0], [1], [1], [0, 1, 1, 1], [], []>, transpose_lhs_hint = false} : vector<64x64xf32>, vector<64x128xf32>, vector<64x128xf32> -> vector<64x128xf32>
    %dot_general3A_41 = arith.constant dense<0.000000e+00> : vector<64x128xf32>
    %dot_general3A_42 = tpu.matmul %slice3A_38, %convert_element_type3A_11, %dot_general3A_41 {dimension_numbers = #tpu.dot_dimension_numbers<[0], [0], [1], [1], [0, 1, 1, 1], [], []>, transpose_lhs_hint = false} : vector<64x64xf32>, vector<64x128xf32>, vector<64x128xf32> -> vector<64x128xf32>
    %add3A_43 = arith.addf %dot_general3A_40, %dot_general3A_42 : vector<64x128xf32>
    %get3A_44 = arith.constant 24 : index
    %get3A_45 = arith.constant 0 : index
    %get3A_46 = arith.constant 0 : index
    %get3A_47 = vector.load %arg1[%get3A_44, %get3A_45, %get3A_46] : memref<256x8x128xf32, #tpu.memory_space<vmem>>, vector<8x8x128xf32>
    %reshape3A_48 = vector.shape_cast %get3A_47 : vector<8x8x128xf32> to vector<64x128xf32>
    %slice3A_49 = vector.extract_strided_slice %reshape3A_48 {offsets = [0, 0], sizes = [64, 64], strides = [1, 1]} : vector<64x128xf32> to vector<64x64xf32>
    %slice3A_50 = vector.extract_strided_slice %reshape3A_48 {offsets = [0, 64], sizes = [64, 64], strides = [1, 1]} : vector<64x128xf32> to vector<64x64xf32>
    %dot_general3A_51 = arith.constant dense<0.000000e+00> : vector<64x128xf32>
    %dot_general3A_52 = tpu.matmul %slice3A_49, %convert_element_type3A_3, %dot_general3A_51 {dimension_numbers = #tpu.dot_dimension_numbers<[0], [0], [1], [1], [0, 1, 1, 1], [], []>, transpose_lhs_hint = false} : vector<64x64xf32>, vector<64x128xf32>, vector<64x128xf32> -> vector<64x128xf32>
    %dot_general3A_53 = arith.constant dense<0.000000e+00> : vector<64x128xf32>
    %dot_general3A_54 = tpu.matmul %slice3A_50, %convert_element_type3A_11, %dot_general3A_53 {dimension_numbers = #tpu.dot_dimension_numbers<[0], [0], [1], [1], [0, 1, 1, 1], [], []>, transpose_lhs_hint = false} : vector<64x64xf32>, vector<64x128xf32>, vector<64x128xf32> -> vector<64x128xf32>
    %add3A_55 = arith.addf %dot_general3A_52, %dot_general3A_54 : vector<64x128xf32>
    %get3A_56 = arith.constant 32 : index
    %get3A_57 = arith.constant 0 : index
    %get3A_58 = arith.constant 0 : index
    %get3A_59 = vector.load %arg1[%get3A_56, %get3A_57, %get3A_58] : memref<256x8x128xf32, #tpu.memory_space<vmem>>, vector<8x8x128xf32>
    %reshape3A_60 = vector.shape_cast %get3A_59 : vector<8x8x128xf32> to vector<64x128xf32>
    %slice3A_61 = vector.extract_strided_slice %reshape3A_60 {offsets = [0, 0], sizes = [64, 64], strides = [1, 1]} : vector<64x128xf32> to vector<64x64xf32>
    %slice3A_62 = vector.extract_strided_slice %reshape3A_60 {offsets = [0, 64], sizes = [64, 64], strides = [1, 1]} : vector<64x128xf32> to vector<64x64xf32>
    %dot_general3A_63 = arith.constant dense<0.000000e+00> : vector<64x128xf32>
    %dot_general3A_64 = tpu.matmul %slice3A_61, %convert_element_type3A_3, %dot_general3A_63 {dimension_numbers = #tpu.dot_dimension_numbers<[0], [0], [1], [1], [0, 1, 1, 1], [], []>, transpose_lhs_hint = false} : vector<64x64xf32>, vector<64x128xf32>, vector<64x128xf32> -> vector<64x128xf32>
    %dot_general3A_65 = arith.constant dense<0.000000e+00> : vector<64x128xf32>
    %dot_general3A_66 = tpu.matmul %slice3A_62, %convert_element_type3A_11, %dot_general3A_65 {dimension_numbers = #tpu.dot_dimension_numbers<[0], [0], [1], [1], [0, 1, 1, 1], [], []>, transpose_lhs_hint = false} : vector<64x64xf32>, vector<64x128xf32>, vector<64x128xf32> -> vector<64x128xf32>
    %add3A_67 = arith.addf %dot_general3A_64, %dot_general3A_66 : vector<64x128xf32>
    %get3A_68 = arith.constant 40 : index
    %get3A_69 = arith.constant 0 : index
    %get3A_70 = arith.constant 0 : index
    %get3A_71 = vector.load %arg1[%get3A_68, %get3A_69, %get3A_70] : memref<256x8x128xf32, #tpu.memory_space<vmem>>, vector<8x8x128xf32>
    %reshape3A_72 = vector.shape_cast %get3A_71 : vector<8x8x128xf32> to vector<64x128xf32>
    %slice3A_73 = vector.extract_strided_slice %reshape3A_72 {offsets = [0, 0], sizes = [64, 64], strides = [1, 1]} : vector<64x128xf32> to vector<64x64xf32>
    %slice3A_74 = vector.extract_strided_slice %reshape3A_72 {offsets = [0, 64], sizes = [64, 64], strides = [1, 1]} : vector<64x128xf32> to vector<64x64xf32>
    %dot_general3A_75 = arith.constant dense<0.000000e+00> : vector<64x128xf32>
    %dot_general3A_76 = tpu.matmul %slice3A_73, %convert_element_type3A_3, %dot_general3A_75 {dimension_numbers = #tpu.dot_dimension_numbers<[0], [0], [1], [1], [0, 1, 1, 1], [], []>, transpose_lhs_hint = false} : vector<64x64xf32>, vector<64x128xf32>, vector<64x128xf32> -> vector<64x128xf32>
    %dot_general3A_77 = arith.constant dense<0.000000e+00> : vector<64x128xf32>
    %dot_general3A_78 = tpu.matmul %slice3A_74, %convert_element_type3A_11, %dot_general3A_77 {dimension_numbers = #tpu.dot_dimension_numbers<[0], [0], [1], [1], [0, 1, 1, 1], [], []>, transpose_lhs_hint = false} : vector<64x64xf32>, vector<64x128xf32>, vector<64x128xf32> -> vector<64x128xf32>
    %add3A_79 = arith.addf %dot_general3A_76, %dot_general3A_78 : vector<64x128xf32>
    %get3A_80 = arith.constant 48 : index
    %get3A_81 = arith.constant 0 : index
    %get3A_82 = arith.constant 0 : index
    %get3A_83 = vector.load %arg1[%get3A_80, %get3A_81, %get3A_82] : memref<256x8x128xf32, #tpu.memory_space<vmem>>, vector<8x8x128xf32>
    %reshape3A_84 = vector.shape_cast %get3A_83 : vector<8x8x128xf32> to vector<64x128xf32>
    %slice3A_85 = vector.extract_strided_slice %reshape3A_84 {offsets = [0, 0], sizes = [64, 64], strides = [1, 1]} : vector<64x128xf32> to vector<64x64xf32>
    %slice3A_86 = vector.extract_strided_slice %reshape3A_84 {offsets = [0, 64], sizes = [64, 64], strides = [1, 1]} : vector<64x128xf32> to vector<64x64xf32>
    %dot_general3A_87 = arith.constant dense<0.000000e+00> : vector<64x128xf32>
    %dot_general3A_88 = tpu.matmul %slice3A_85, %convert_element_type3A_3, %dot_general3A_87 {dimension_numbers = #tpu.dot_dimension_numbers<[0], [0], [1], [1], [0, 1, 1, 1], [], []>, transpose_lhs_hint = false} : vector<64x64xf32>, vector<64x128xf32>, vector<64x128xf32> -> vector<64x128xf32>
    %dot_general3A_89 = arith.constant dense<0.000000e+00> : vector<64x128xf32>
    %dot_general3A_90 = tpu.matmul %slice3A_86, %convert_element_type3A_11, %dot_general3A_89 {dimension_numbers = #tpu.dot_dimension_numbers<[0], [0], [1], [1], [0, 1, 1, 1], [], []>, transpose_lhs_hint = false} : vector<64x64xf32>, vector<64x128xf32>, vector<64x128xf32> -> vector<64x128xf32>
    %add3A_91 = arith.addf %dot_general3A_88, %dot_general3A_90 : vector<64x128xf32>
    %get3A_92 = arith.constant 56 : index
    %get3A_93 = arith.constant 0 : index
    %get3A_94 = arith.constant 0 : index
    %get3A_95 = vector.load %arg1[%get3A_92, %get3A_93, %get3A_94] : memref<256x8x128xf32, #tpu.memory_space<vmem>>, vector<8x8x128xf32>
    %reshape3A_96 = vector.shape_cast %get3A_95 : vector<8x8x128xf32> to vector<64x128xf32>
    %slice3A_97 = vector.extract_strided_slice %reshape3A_96 {offsets = [0, 0], sizes = [64, 64], strides = [1, 1]} : vector<64x128xf32> to vector<64x64xf32>
    %slice3A_98 = vector.extract_strided_slice %reshape3A_96 {offsets = [0, 64], sizes = [64, 64], strides = [1, 1]} : vector<64x128xf32> to vector<64x64xf32>
    %dot_general3A_99 = arith.constant dense<0.000000e+00> : vector<64x128xf32>
    %dot_general3A_100 = tpu.matmul %slice3A_97, %convert_element_type3A_3, %dot_general3A_99 {dimension_numbers = #tpu.dot_dimension_numbers<[0], [0], [1], [1], [0, 1, 1, 1], [], []>, transpose_lhs_hint = false} : vector<64x64xf32>, vector<64x128xf32>, vector<64x128xf32> -> vector<64x128xf32>
    %dot_general3A_101 = arith.constant dense<0.000000e+00> : vector<64x128xf32>
    %dot_general3A_102 = tpu.matmul %slice3A_98, %convert_element_type3A_11, %dot_general3A_101 {dimension_numbers = #tpu.dot_dimension_numbers<[0], [0], [1], [1], [0, 1, 1, 1], [], []>, transpose_lhs_hint = false} : vector<64x64xf32>, vector<64x128xf32>, vector<64x128xf32> -> vector<64x128xf32>
    %add3A_103 = arith.addf %dot_general3A_100, %dot_general3A_102 : vector<64x128xf32>
    %get3A_104 = arith.constant 64 : index
    %get3A_105 = arith.constant 0 : index
    %get3A_106 = arith.constant 0 : index
    %get3A_107 = vector.load %arg1[%get3A_104, %get3A_105, %get3A_106] : memref<256x8x128xf32, #tpu.memory_space<vmem>>, vector<8x8x128xf32>
    %reshape3A_108 = vector.shape_cast %get3A_107 : vector<8x8x128xf32> to vector<64x128xf32>
    %slice3A_109 = vector.extract_strided_slice %reshape3A_108 {offsets = [0, 0], sizes = [64, 64], strides = [1, 1]} : vector<64x128xf32> to vector<64x64xf32>
    %slice3A_110 = vector.extract_strided_slice %reshape3A_108 {offsets = [0, 64], sizes = [64, 64], strides = [1, 1]} : vector<64x128xf32> to vector<64x64xf32>
    %dot_general3A_111 = arith.constant dense<0.000000e+00> : vector<64x128xf32>
    %dot_general3A_112 = tpu.matmul %slice3A_109, %convert_element_type3A_3, %dot_general3A_111 {dimension_numbers = #tpu.dot_dimension_numbers<[0], [0], [1], [1], [0, 1, 1, 1], [], []>, transpose_lhs_hint = false} : vector<64x64xf32>, vector<64x128xf32>, vector<64x128xf32> -> vector<64x128xf32>
    %dot_general3A_113 = arith.constant dense<0.000000e+00> : vector<64x128xf32>
    %dot_general3A_114 = tpu.matmul %slice3A_110, %convert_element_type3A_11, %dot_general3A_113 {dimension_numbers = #tpu.dot_dimension_numbers<[0], [0], [1], [1], [0, 1, 1, 1], [], []>, transpose_lhs_hint = false} : vector<64x64xf32>, vector<64x128xf32>, vector<64x128xf32> -> vector<64x128xf32>
    %add3A_115 = arith.addf %dot_general3A_112, %dot_general3A_114 : vector<64x128xf32>
    %get3A_116 = arith.constant 72 : index
    %get3A_117 = arith.constant 0 : index
    %get3A_118 = arith.constant 0 : index
    %get3A_119 = vector.load %arg1[%get3A_116, %get3A_117, %get3A_118] : memref<256x8x128xf32, #tpu.memory_space<vmem>>, vector<8x8x128xf32>
    %reshape3A_120 = vector.shape_cast %get3A_119 : vector<8x8x128xf32> to vector<64x128xf32>
    %slice3A_121 = vector.extract_strided_slice %reshape3A_120 {offsets = [0, 0], sizes = [64, 64], strides = [1, 1]} : vector<64x128xf32> to vector<64x64xf32>
    %slice3A_122 = vector.extract_strided_slice %reshape3A_120 {offsets = [0, 64], sizes = [64, 64], strides = [1, 1]} : vector<64x128xf32> to vector<64x64xf32>
    %dot_general3A_123 = arith.constant dense<0.000000e+00> : vector<64x128xf32>
    %dot_general3A_124 = tpu.matmul %slice3A_121, %convert_element_type3A_3, %dot_general3A_123 {dimension_numbers = #tpu.dot_dimension_numbers<[0], [0], [1], [1], [0, 1, 1, 1], [], []>, transpose_lhs_hint = false} : vector<64x64xf32>, vector<64x128xf32>, vector<64x128xf32> -> vector<64x128xf32>
    %dot_general3A_125 = arith.constant dense<0.000000e+00> : vector<64x128xf32>
    %dot_general3A_126 = tpu.matmul %slice3A_122, %convert_element_type3A_11, %dot_general3A_125 {dimension_numbers = #tpu.dot_dimension_numbers<[0], [0], [1], [1], [0, 1, 1, 1], [], []>, transpose_lhs_hint = false} : vector<64x64xf32>, vector<64x128xf32>, vector<64x128xf32> -> vector<64x128xf32>
    %add3A_127 = arith.addf %dot_general3A_124, %dot_general3A_126 : vector<64x128xf32>
    %get3A_128 = arith.constant 80 : index
    %get3A_129 = arith.constant 0 : index
    %get3A_130 = arith.constant 0 : index
    %get3A_131 = vector.load %arg1[%get3A_128, %get3A_129, %get3A_130] : memref<256x8x128xf32, #tpu.memory_space<vmem>>, vector<8x8x128xf32>
    %reshape3A_132 = vector.shape_cast %get3A_131 : vector<8x8x128xf32> to vector<64x128xf32>
    %slice3A_133 = vector.extract_strided_slice %reshape3A_132 {offsets = [0, 0], sizes = [64, 64], strides = [1, 1]} : vector<64x128xf32> to vector<64x64xf32>
    %slice3A_134 = vector.extract_strided_slice %reshape3A_132 {offsets = [0, 64], sizes = [64, 64], strides = [1, 1]} : vector<64x128xf32> to vector<64x64xf32>
    %dot_general3A_135 = arith.constant dense<0.000000e+00> : vector<64x128xf32>
    %dot_general3A_136 = tpu.matmul %slice3A_133, %convert_element_type3A_3, %dot_general3A_135 {dimension_numbers = #tpu.dot_dimension_numbers<[0], [0], [1], [1], [0, 1, 1, 1], [], []>, transpose_lhs_hint = false} : vector<64x64xf32>, vector<64x128xf32>, vector<64x128xf32> -> vector<64x128xf32>
    %dot_general3A_137 = arith.constant dense<0.000000e+00> : vector<64x128xf32>
    %dot_general3A_138 = tpu.matmul %slice3A_134, %convert_element_type3A_11, %dot_general3A_137 {dimension_numbers = #tpu.dot_dimension_numbers<[0], [0], [1], [1], [0, 1, 1, 1], [], []>, transpose_lhs_hint = false} : vector<64x64xf32>, vector<64x128xf32>, vector<64x128xf32> -> vector<64x128xf32>
    %add3A_139 = arith.addf %dot_general3A_136, %dot_general3A_138 : vector<64x128xf32>
    %get3A_140 = arith.constant 88 : index
    %get3A_141 = arith.constant 0 : index
    %get3A_142 = arith.constant 0 : index
    %get3A_143 = vector.load %arg1[%get3A_140, %get3A_141, %get3A_142] : memref<256x8x128xf32, #tpu.memory_space<vmem>>, vector<8x8x128xf32>
    %reshape3A_144 = vector.shape_cast %get3A_143 : vector<8x8x128xf32> to vector<64x128xf32>
    %slice3A_145 = vector.extract_strided_slice %reshape3A_144 {offsets = [0, 0], sizes = [64, 64], strides = [1, 1]} : vector<64x128xf32> to vector<64x64xf32>
    %slice3A_146 = vector.extract_strided_slice %reshape3A_144 {offsets = [0, 64], sizes = [64, 64], strides = [1, 1]} : vector<64x128xf32> to vector<64x64xf32>
    %dot_general3A_147 = arith.constant dense<0.000000e+00> : vector<64x128xf32>
    %dot_general3A_148 = tpu.matmul %slice3A_145, %convert_element_type3A_3, %dot_general3A_147 {dimension_numbers = #tpu.dot_dimension_numbers<[0], [0], [1], [1], [0, 1, 1, 1], [], []>, transpose_lhs_hint = false} : vector<64x64xf32>, vector<64x128xf32>, vector<64x128xf32> -> vector<64x128xf32>
    %dot_general3A_149 = arith.constant dense<0.000000e+00> : vector<64x128xf32>
    %dot_general3A_150 = tpu.matmul %slice3A_146, %convert_element_type3A_11, %dot_general3A_149 {dimension_numbers = #tpu.dot_dimension_numbers<[0], [0], [1], [1], [0, 1, 1, 1], [], []>, transpose_lhs_hint = false} : vector<64x64xf32>, vector<64x128xf32>, vector<64x128xf32> -> vector<64x128xf32>
    %add3A_151 = arith.addf %dot_general3A_148, %dot_general3A_150 : vector<64x128xf32>
    %get3A_152 = arith.constant 96 : index
    %get3A_153 = arith.constant 0 : index
    %get3A_154 = arith.constant 0 : index
    %get3A_155 = vector.load %arg1[%get3A_152, %get3A_153, %get3A_154] : memref<256x8x128xf32, #tpu.memory_space<vmem>>, vector<8x8x128xf32>
    %reshape3A_156 = vector.shape_cast %get3A_155 : vector<8x8x128xf32> to vector<64x128xf32>
    %slice3A_157 = vector.extract_strided_slice %reshape3A_156 {offsets = [0, 0], sizes = [64, 64], strides = [1, 1]} : vector<64x128xf32> to vector<64x64xf32>
    %slice3A_158 = vector.extract_strided_slice %reshape3A_156 {offsets = [0, 64], sizes = [64, 64], strides = [1, 1]} : vector<64x128xf32> to vector<64x64xf32>
    %dot_general3A_159 = arith.constant dense<0.000000e+00> : vector<64x128xf32>
    %dot_general3A_160 = tpu.matmul %slice3A_157, %convert_element_type3A_3, %dot_general3A_159 {dimension_numbers = #tpu.dot_dimension_numbers<[0], [0], [1], [1], [0, 1, 1, 1], [], []>, transpose_lhs_hint = false} : vector<64x64xf32>, vector<64x128xf32>, vector<64x128xf32> -> vector<64x128xf32>
    %dot_general3A_161 = arith.constant dense<0.000000e+00> : vector<64x128xf32>
    %dot_general3A_162 = tpu.matmul %slice3A_158, %convert_element_type3A_11, %dot_general3A_161 {dimension_numbers = #tpu.dot_dimension_numbers<[0], [0], [1], [1], [0, 1, 1, 1], [], []>, transpose_lhs_hint = false} : vector<64x64xf32>, vector<64x128xf32>, vector<64x128xf32> -> vector<64x128xf32>
    %add3A_163 = arith.addf %dot_general3A_160, %dot_general3A_162 : vector<64x128xf32>
    %get3A_164 = arith.constant 104 : index
    %get3A_165 = arith.constant 0 : index
    %get3A_166 = arith.constant 0 : index
    %get3A_167 = vector.load %arg1[%get3A_164, %get3A_165, %get3A_166] : memref<256x8x128xf32, #tpu.memory_space<vmem>>, vector<8x8x128xf32>
    %reshape3A_168 = vector.shape_cast %get3A_167 : vector<8x8x128xf32> to vector<64x128xf32>
    %slice3A_169 = vector.extract_strided_slice %reshape3A_168 {offsets = [0, 0], sizes = [64, 64], strides = [1, 1]} : vector<64x128xf32> to vector<64x64xf32>
    %slice3A_170 = vector.extract_strided_slice %reshape3A_168 {offsets = [0, 64], sizes = [64, 64], strides = [1, 1]} : vector<64x128xf32> to vector<64x64xf32>
    %dot_general3A_171 = arith.constant dense<0.000000e+00> : vector<64x128xf32>
    %dot_general3A_172 = tpu.matmul %slice3A_169, %convert_element_type3A_3, %dot_general3A_171 {dimension_numbers = #tpu.dot_dimension_numbers<[0], [0], [1], [1], [0, 1, 1, 1], [], []>, transpose_lhs_hint = false} : vector<64x64xf32>, vector<64x128xf32>, vector<64x128xf32> -> vector<64x128xf32>
    %dot_general3A_173 = arith.constant dense<0.000000e+00> : vector<64x128xf32>
    %dot_general3A_174 = tpu.matmul %slice3A_170, %convert_element_type3A_11, %dot_general3A_173 {dimension_numbers = #tpu.dot_dimension_numbers<[0], [0], [1], [1], [0, 1, 1, 1], [], []>, transpose_lhs_hint = false} : vector<64x64xf32>, vector<64x128xf32>, vector<64x128xf32> -> vector<64x128xf32>
    %add3A_175 = arith.addf %dot_general3A_172, %dot_general3A_174 : vector<64x128xf32>
    %get3A_176 = arith.constant 112 : index
    %get3A_177 = arith.constant 0 : index
    %get3A_178 = arith.constant 0 : index
    %get3A_179 = vector.load %arg1[%get3A_176, %get3A_177, %get3A_178] : memref<256x8x128xf32, #tpu.memory_space<vmem>>, vector<8x8x128xf32>
    %reshape3A_180 = vector.shape_cast %get3A_179 : vector<8x8x128xf32> to vector<64x128xf32>
    %slice3A_181 = vector.extract_strided_slice %reshape3A_180 {offsets = [0, 0], sizes = [64, 64], strides = [1, 1]} : vector<64x128xf32> to vector<64x64xf32>
    %slice3A_182 = vector.extract_strided_slice %reshape3A_180 {offsets = [0, 64], sizes = [64, 64], strides = [1, 1]} : vector<64x128xf32> to vector<64x64xf32>
    %dot_general3A_183 = arith.constant dense<0.000000e+00> : vector<64x128xf32>
    %dot_general3A_184 = tpu.matmul %slice3A_181, %convert_element_type3A_3, %dot_general3A_183 {dimension_numbers = #tpu.dot_dimension_numbers<[0], [0], [1], [1], [0, 1, 1, 1], [], []>, transpose_lhs_hint = false} : vector<64x64xf32>, vector<64x128xf32>, vector<64x128xf32> -> vector<64x128xf32>
    %dot_general3A_185 = arith.constant dense<0.000000e+00> : vector<64x128xf32>
    %dot_general3A_186 = tpu.matmul %slice3A_182, %convert_element_type3A_11, %dot_general3A_185 {dimension_numbers = #tpu.dot_dimension_numbers<[0], [0], [1], [1], [0, 1, 1, 1], [], []>, transpose_lhs_hint = false} : vector<64x64xf32>, vector<64x128xf32>, vector<64x128xf32> -> vector<64x128xf32>
    %add3A_187 = arith.addf %dot_general3A_184, %dot_general3A_186 : vector<64x128xf32>
    %get3A_188 = arith.constant 120 : index
    %get3A_189 = arith.constant 0 : index
    %get3A_190 = arith.constant 0 : index
    %get3A_191 = vector.load %arg1[%get3A_188, %get3A_189, %get3A_190] : memref<256x8x128xf32, #tpu.memory_space<vmem>>, vector<8x8x128xf32>
    %reshape3A_192 = vector.shape_cast %get3A_191 : vector<8x8x128xf32> to vector<64x128xf32>
    %slice3A_193 = vector.extract_strided_slice %reshape3A_192 {offsets = [0, 0], sizes = [64, 64], strides = [1, 1]} : vector<64x128xf32> to vector<64x64xf32>
    %slice3A_194 = vector.extract_strided_slice %reshape3A_192 {offsets = [0, 64], sizes = [64, 64], strides = [1, 1]} : vector<64x128xf32> to vector<64x64xf32>
    %dot_general3A_195 = arith.constant dense<0.000000e+00> : vector<64x128xf32>
    %dot_general3A_196 = tpu.matmul %slice3A_193, %convert_element_type3A_3, %dot_general3A_195 {dimension_numbers = #tpu.dot_dimension_numbers<[0], [0], [1], [1], [0, 1, 1, 1], [], []>, transpose_lhs_hint = false} : vector<64x64xf32>, vector<64x128xf32>, vector<64x128xf32> -> vector<64x128xf32>
    %dot_general3A_197 = arith.constant dense<0.000000e+00> : vector<64x128xf32>
    %dot_general3A_198 = tpu.matmul %slice3A_194, %convert_element_type3A_11, %dot_general3A_197 {dimension_numbers = #tpu.dot_dimension_numbers<[0], [0], [1], [1], [0, 1, 1, 1], [], []>, transpose_lhs_hint = false} : vector<64x64xf32>, vector<64x128xf32>, vector<64x128xf32> -> vector<64x128xf32>
    %add3A_199 = arith.addf %dot_general3A_196, %dot_general3A_198 : vector<64x128xf32>
    %get3A_200 = arith.constant 128 : index
    %get3A_201 = arith.constant 0 : index
    %get3A_202 = arith.constant 0 : index
    %get3A_203 = vector.load %arg1[%get3A_200, %get3A_201, %get3A_202] : memref<256x8x128xf32, #tpu.memory_space<vmem>>, vector<8x8x128xf32>
    %reshape3A_204 = vector.shape_cast %get3A_203 : vector<8x8x128xf32> to vector<64x128xf32>
    %slice3A_205 = vector.extract_strided_slice %reshape3A_204 {offsets = [0, 0], sizes = [64, 64], strides = [1, 1]} : vector<64x128xf32> to vector<64x64xf32>
    %slice3A_206 = vector.extract_strided_slice %reshape3A_204 {offsets = [0, 64], sizes = [64, 64], strides = [1, 1]} : vector<64x128xf32> to vector<64x64xf32>
    %dot_general3A_207 = arith.constant dense<0.000000e+00> : vector<64x128xf32>
    %dot_general3A_208 = tpu.matmul %slice3A_205, %convert_element_type3A_3, %dot_general3A_207 {dimension_numbers = #tpu.dot_dimension_numbers<[0], [0], [1], [1], [0, 1, 1, 1], [], []>, transpose_lhs_hint = false} : vector<64x64xf32>, vector<64x128xf32>, vector<64x128xf32> -> vector<64x128xf32>
    %dot_general3A_209 = arith.constant dense<0.000000e+00> : vector<64x128xf32>
    %dot_general3A_210 = tpu.matmul %slice3A_206, %convert_element_type3A_11, %dot_general3A_209 {dimension_numbers = #tpu.dot_dimension_numbers<[0], [0], [1], [1], [0, 1, 1, 1], [], []>, transpose_lhs_hint = false} : vector<64x64xf32>, vector<64x128xf32>, vector<64x128xf32> -> vector<64x128xf32>
    %add3A_211 = arith.addf %dot_general3A_208, %dot_general3A_210 : vector<64x128xf32>
    %get3A_212 = arith.constant 136 : index
    %get3A_213 = arith.constant 0 : index
    %get3A_214 = arith.constant 0 : index
    %get3A_215 = vector.load %arg1[%get3A_212, %get3A_213, %get3A_214] : memref<256x8x128xf32, #tpu.memory_space<vmem>>, vector<8x8x128xf32>
    %reshape3A_216 = vector.shape_cast %get3A_215 : vector<8x8x128xf32> to vector<64x128xf32>
    %slice3A_217 = vector.extract_strided_slice %reshape3A_216 {offsets = [0, 0], sizes = [64, 64], strides = [1, 1]} : vector<64x128xf32> to vector<64x64xf32>
    %slice3A_218 = vector.extract_strided_slice %reshape3A_216 {offsets = [0, 64], sizes = [64, 64], strides = [1, 1]} : vector<64x128xf32> to vector<64x64xf32>
    %dot_general3A_219 = arith.constant dense<0.000000e+00> : vector<64x128xf32>
    %dot_general3A_220 = tpu.matmul %slice3A_217, %convert_element_type3A_3, %dot_general3A_219 {dimension_numbers = #tpu.dot_dimension_numbers<[0], [0], [1], [1], [0, 1, 1, 1], [], []>, transpose_lhs_hint = false} : vector<64x64xf32>, vector<64x128xf32>, vector<64x128xf32> -> vector<64x128xf32>
    %dot_general3A_221 = arith.constant dense<0.000000e+00> : vector<64x128xf32>
    %dot_general3A_222 = tpu.matmul %slice3A_218, %convert_element_type3A_11, %dot_general3A_221 {dimension_numbers = #tpu.dot_dimension_numbers<[0], [0], [1], [1], [0, 1, 1, 1], [], []>, transpose_lhs_hint = false} : vector<64x64xf32>, vector<64x128xf32>, vector<64x128xf32> -> vector<64x128xf32>
    %add3A_223 = arith.addf %dot_general3A_220, %dot_general3A_222 : vector<64x128xf32>
    %get3A_224 = arith.constant 144 : index
    %get3A_225 = arith.constant 0 : index
    %get3A_226 = arith.constant 0 : index
    %get3A_227 = vector.load %arg1[%get3A_224, %get3A_225, %get3A_226] : memref<256x8x128xf32, #tpu.memory_space<vmem>>, vector<8x8x128xf32>
    %reshape3A_228 = vector.shape_cast %get3A_227 : vector<8x8x128xf32> to vector<64x128xf32>
    %slice3A_229 = vector.extract_strided_slice %reshape3A_228 {offsets = [0, 0], sizes = [64, 64], strides = [1, 1]} : vector<64x128xf32> to vector<64x64xf32>
    %slice3A_230 = vector.extract_strided_slice %reshape3A_228 {offsets = [0, 64], sizes = [64, 64], strides = [1, 1]} : vector<64x128xf32> to vector<64x64xf32>
    %dot_general3A_231 = arith.constant dense<0.000000e+00> : vector<64x128xf32>
    %dot_general3A_232 = tpu.matmul %slice3A_229, %convert_element_type3A_3, %dot_general3A_231 {dimension_numbers = #tpu.dot_dimension_numbers<[0], [0], [1], [1], [0, 1, 1, 1], [], []>, transpose_lhs_hint = false} : vector<64x64xf32>, vector<64x128xf32>, vector<64x128xf32> -> vector<64x128xf32>
    %dot_general3A_233 = arith.constant dense<0.000000e+00> : vector<64x128xf32>
    %dot_general3A_234 = tpu.matmul %slice3A_230, %convert_element_type3A_11, %dot_general3A_233 {dimension_numbers = #tpu.dot_dimension_numbers<[0], [0], [1], [1], [0, 1, 1, 1], [], []>, transpose_lhs_hint = false} : vector<64x64xf32>, vector<64x128xf32>, vector<64x128xf32> -> vector<64x128xf32>
    %add3A_235 = arith.addf %dot_general3A_232, %dot_general3A_234 : vector<64x128xf32>
    %get3A_236 = arith.constant 152 : index
    %get3A_237 = arith.constant 0 : index
    %get3A_238 = arith.constant 0 : index
    %get3A_239 = vector.load %arg1[%get3A_236, %get3A_237, %get3A_238] : memref<256x8x128xf32, #tpu.memory_space<vmem>>, vector<8x8x128xf32>
    %reshape3A_240 = vector.shape_cast %get3A_239 : vector<8x8x128xf32> to vector<64x128xf32>
    %slice3A_241 = vector.extract_strided_slice %reshape3A_240 {offsets = [0, 0], sizes = [64, 64], strides = [1, 1]} : vector<64x128xf32> to vector<64x64xf32>
    %slice3A_242 = vector.extract_strided_slice %reshape3A_240 {offsets = [0, 64], sizes = [64, 64], strides = [1, 1]} : vector<64x128xf32> to vector<64x64xf32>
    %dot_general3A_243 = arith.constant dense<0.000000e+00> : vector<64x128xf32>
    %dot_general3A_244 = tpu.matmul %slice3A_241, %convert_element_type3A_3, %dot_general3A_243 {dimension_numbers = #tpu.dot_dimension_numbers<[0], [0], [1], [1], [0, 1, 1, 1], [], []>, transpose_lhs_hint = false} : vector<64x64xf32>, vector<64x128xf32>, vector<64x128xf32> -> vector<64x128xf32>
    %dot_general3A_245 = arith.constant dense<0.000000e+00> : vector<64x128xf32>
    %dot_general3A_246 = tpu.matmul %slice3A_242, %convert_element_type3A_11, %dot_general3A_245 {dimension_numbers = #tpu.dot_dimension_numbers<[0], [0], [1], [1], [0, 1, 1, 1], [], []>, transpose_lhs_hint = false} : vector<64x64xf32>, vector<64x128xf32>, vector<64x128xf32> -> vector<64x128xf32>
    %add3A_247 = arith.addf %dot_general3A_244, %dot_general3A_246 : vector<64x128xf32>
    %get3A_248 = arith.constant 160 : index
    %get3A_249 = arith.constant 0 : index
    %get3A_250 = arith.constant 0 : index
    %get3A_251 = vector.load %arg1[%get3A_248, %get3A_249, %get3A_250] : memref<256x8x128xf32, #tpu.memory_space<vmem>>, vector<8x8x128xf32>
    %reshape3A_252 = vector.shape_cast %get3A_251 : vector<8x8x128xf32> to vector<64x128xf32>
    %slice3A_253 = vector.extract_strided_slice %reshape3A_252 {offsets = [0, 0], sizes = [64, 64], strides = [1, 1]} : vector<64x128xf32> to vector<64x64xf32>
    %slice3A_254 = vector.extract_strided_slice %reshape3A_252 {offsets = [0, 64], sizes = [64, 64], strides = [1, 1]} : vector<64x128xf32> to vector<64x64xf32>
    %dot_general3A_255 = arith.constant dense<0.000000e+00> : vector<64x128xf32>
    %dot_general3A_256 = tpu.matmul %slice3A_253, %convert_element_type3A_3, %dot_general3A_255 {dimension_numbers = #tpu.dot_dimension_numbers<[0], [0], [1], [1], [0, 1, 1, 1], [], []>, transpose_lhs_hint = false} : vector<64x64xf32>, vector<64x128xf32>, vector<64x128xf32> -> vector<64x128xf32>
    %dot_general3A_257 = arith.constant dense<0.000000e+00> : vector<64x128xf32>
    %dot_general3A_258 = tpu.matmul %slice3A_254, %convert_element_type3A_11, %dot_general3A_257 {dimension_numbers = #tpu.dot_dimension_numbers<[0], [0], [1], [1], [0, 1, 1, 1], [], []>, transpose_lhs_hint = false} : vector<64x64xf32>, vector<64x128xf32>, vector<64x128xf32> -> vector<64x128xf32>
    %add3A_259 = arith.addf %dot_general3A_256, %dot_general3A_258 : vector<64x128xf32>
    %get3A_260 = arith.constant 168 : index
    %get3A_261 = arith.constant 0 : index
    %get3A_262 = arith.constant 0 : index
    %get3A_263 = vector.load %arg1[%get3A_260, %get3A_261, %get3A_262] : memref<256x8x128xf32, #tpu.memory_space<vmem>>, vector<8x8x128xf32>
    %reshape3A_264 = vector.shape_cast %get3A_263 : vector<8x8x128xf32> to vector<64x128xf32>
    %slice3A_265 = vector.extract_strided_slice %reshape3A_264 {offsets = [0, 0], sizes = [64, 64], strides = [1, 1]} : vector<64x128xf32> to vector<64x64xf32>
    %slice3A_266 = vector.extract_strided_slice %reshape3A_264 {offsets = [0, 64], sizes = [64, 64], strides = [1, 1]} : vector<64x128xf32> to vector<64x64xf32>
    %dot_general3A_267 = arith.constant dense<0.000000e+00> : vector<64x128xf32>
    %dot_general3A_268 = tpu.matmul %slice3A_265, %convert_element_type3A_3, %dot_general3A_267 {dimension_numbers = #tpu.dot_dimension_numbers<[0], [0], [1], [1], [0, 1, 1, 1], [], []>, transpose_lhs_hint = false} : vector<64x64xf32>, vector<64x128xf32>, vector<64x128xf32> -> vector<64x128xf32>
    %dot_general3A_269 = arith.constant dense<0.000000e+00> : vector<64x128xf32>
    %dot_general3A_270 = tpu.matmul %slice3A_266, %convert_element_type3A_11, %dot_general3A_269 {dimension_numbers = #tpu.dot_dimension_numbers<[0], [0], [1], [1], [0, 1, 1, 1], [], []>, transpose_lhs_hint = false} : vector<64x64xf32>, vector<64x128xf32>, vector<64x128xf32> -> vector<64x128xf32>
    %add3A_271 = arith.addf %dot_general3A_268, %dot_general3A_270 : vector<64x128xf32>
    %get3A_272 = arith.constant 176 : index
    %get3A_273 = arith.constant 0 : index
    %get3A_274 = arith.constant 0 : index
    %get3A_275 = vector.load %arg1[%get3A_272, %get3A_273, %get3A_274] : memref<256x8x128xf32, #tpu.memory_space<vmem>>, vector<8x8x128xf32>
    %reshape3A_276 = vector.shape_cast %get3A_275 : vector<8x8x128xf32> to vector<64x128xf32>
    %slice3A_277 = vector.extract_strided_slice %reshape3A_276 {offsets = [0, 0], sizes = [64, 64], strides = [1, 1]} : vector<64x128xf32> to vector<64x64xf32>
    %slice3A_278 = vector.extract_strided_slice %reshape3A_276 {offsets = [0, 64], sizes = [64, 64], strides = [1, 1]} : vector<64x128xf32> to vector<64x64xf32>
    %dot_general3A_279 = arith.constant dense<0.000000e+00> : vector<64x128xf32>
    %dot_general3A_280 = tpu.matmul %slice3A_277, %convert_element_type3A_3, %dot_general3A_279 {dimension_numbers = #tpu.dot_dimension_numbers<[0], [0], [1], [1], [0, 1, 1, 1], [], []>, transpose_lhs_hint = false} : vector<64x64xf32>, vector<64x128xf32>, vector<64x128xf32> -> vector<64x128xf32>
    %dot_general3A_281 = arith.constant dense<0.000000e+00> : vector<64x128xf32>
    %dot_general3A_282 = tpu.matmul %slice3A_278, %convert_element_type3A_11, %dot_general3A_281 {dimension_numbers = #tpu.dot_dimension_numbers<[0], [0], [1], [1], [0, 1, 1, 1], [], []>, transpose_lhs_hint = false} : vector<64x64xf32>, vector<64x128xf32>, vector<64x128xf32> -> vector<64x128xf32>
    %add3A_283 = arith.addf %dot_general3A_280, %dot_general3A_282 : vector<64x128xf32>
    %get3A_284 = arith.constant 184 : index
    %get3A_285 = arith.constant 0 : index
    %get3A_286 = arith.constant 0 : index
    %get3A_287 = vector.load %arg1[%get3A_284, %get3A_285, %get3A_286] : memref<256x8x128xf32, #tpu.memory_space<vmem>>, vector<8x8x128xf32>
    %reshape3A_288 = vector.shape_cast %get3A_287 : vector<8x8x128xf32> to vector<64x128xf32>
    %slice3A_289 = vector.extract_strided_slice %reshape3A_288 {offsets = [0, 0], sizes = [64, 64], strides = [1, 1]} : vector<64x128xf32> to vector<64x64xf32>
    %slice3A_290 = vector.extract_strided_slice %reshape3A_288 {offsets = [0, 64], sizes = [64, 64], strides = [1, 1]} : vector<64x128xf32> to vector<64x64xf32>
    %dot_general3A_291 = arith.constant dense<0.000000e+00> : vector<64x128xf32>
    %dot_general3A_292 = tpu.matmul %slice3A_289, %convert_element_type3A_3, %dot_general3A_291 {dimension_numbers = #tpu.dot_dimension_numbers<[0], [0], [1], [1], [0, 1, 1, 1], [], []>, transpose_lhs_hint = false} : vector<64x64xf32>, vector<64x128xf32>, vector<64x128xf32> -> vector<64x128xf32>
    %dot_general3A_293 = arith.constant dense<0.000000e+00> : vector<64x128xf32>
    %dot_general3A_294 = tpu.matmul %slice3A_290, %convert_element_type3A_11, %dot_general3A_293 {dimension_numbers = #tpu.dot_dimension_numbers<[0], [0], [1], [1], [0, 1, 1, 1], [], []>, transpose_lhs_hint = false} : vector<64x64xf32>, vector<64x128xf32>, vector<64x128xf32> -> vector<64x128xf32>
    %add3A_295 = arith.addf %dot_general3A_292, %dot_general3A_294 : vector<64x128xf32>
    %get3A_296 = arith.constant 192 : index
    %get3A_297 = arith.constant 0 : index
    %get3A_298 = arith.constant 0 : index
    %get3A_299 = vector.load %arg1[%get3A_296, %get3A_297, %get3A_298] : memref<256x8x128xf32, #tpu.memory_space<vmem>>, vector<8x8x128xf32>
    %reshape3A_300 = vector.shape_cast %get3A_299 : vector<8x8x128xf32> to vector<64x128xf32>
    %slice3A_301 = vector.extract_strided_slice %reshape3A_300 {offsets = [0, 0], sizes = [64, 64], strides = [1, 1]} : vector<64x128xf32> to vector<64x64xf32>
    %slice3A_302 = vector.extract_strided_slice %reshape3A_300 {offsets = [0, 64], sizes = [64, 64], strides = [1, 1]} : vector<64x128xf32> to vector<64x64xf32>
    %dot_general3A_303 = arith.constant dense<0.000000e+00> : vector<64x128xf32>
    %dot_general3A_304 = tpu.matmul %slice3A_301, %convert_element_type3A_3, %dot_general3A_303 {dimension_numbers = #tpu.dot_dimension_numbers<[0], [0], [1], [1], [0, 1, 1, 1], [], []>, transpose_lhs_hint = false} : vector<64x64xf32>, vector<64x128xf32>, vector<64x128xf32> -> vector<64x128xf32>
    %dot_general3A_305 = arith.constant dense<0.000000e+00> : vector<64x128xf32>
    %dot_general3A_306 = tpu.matmul %slice3A_302, %convert_element_type3A_11, %dot_general3A_305 {dimension_numbers = #tpu.dot_dimension_numbers<[0], [0], [1], [1], [0, 1, 1, 1], [], []>, transpose_lhs_hint = false} : vector<64x64xf32>, vector<64x128xf32>, vector<64x128xf32> -> vector<64x128xf32>
    %add3A_307 = arith.addf %dot_general3A_304, %dot_general3A_306 : vector<64x128xf32>
    %get3A_308 = arith.constant 200 : index
    %get3A_309 = arith.constant 0 : index
    %get3A_310 = arith.constant 0 : index
    %get3A_311 = vector.load %arg1[%get3A_308, %get3A_309, %get3A_310] : memref<256x8x128xf32, #tpu.memory_space<vmem>>, vector<8x8x128xf32>
    %reshape3A_312 = vector.shape_cast %get3A_311 : vector<8x8x128xf32> to vector<64x128xf32>
    %slice3A_313 = vector.extract_strided_slice %reshape3A_312 {offsets = [0, 0], sizes = [64, 64], strides = [1, 1]} : vector<64x128xf32> to vector<64x64xf32>
    %slice3A_314 = vector.extract_strided_slice %reshape3A_312 {offsets = [0, 64], sizes = [64, 64], strides = [1, 1]} : vector<64x128xf32> to vector<64x64xf32>
    %dot_general3A_315 = arith.constant dense<0.000000e+00> : vector<64x128xf32>
    %dot_general3A_316 = tpu.matmul %slice3A_313, %convert_element_type3A_3, %dot_general3A_315 {dimension_numbers = #tpu.dot_dimension_numbers<[0], [0], [1], [1], [0, 1, 1, 1], [], []>, transpose_lhs_hint = false} : vector<64x64xf32>, vector<64x128xf32>, vector<64x128xf32> -> vector<64x128xf32>
    %dot_general3A_317 = arith.constant dense<0.000000e+00> : vector<64x128xf32>
    %dot_general3A_318 = tpu.matmul %slice3A_314, %convert_element_type3A_11, %dot_general3A_317 {dimension_numbers = #tpu.dot_dimension_numbers<[0], [0], [1], [1], [0, 1, 1, 1], [], []>, transpose_lhs_hint = false} : vector<64x64xf32>, vector<64x128xf32>, vector<64x128xf32> -> vector<64x128xf32>
    %add3A_319 = arith.addf %dot_general3A_316, %dot_general3A_318 : vector<64x128xf32>
    %get3A_320 = arith.constant 208 : index
    %get3A_321 = arith.constant 0 : index
    %get3A_322 = arith.constant 0 : index
    %get3A_323 = vector.load %arg1[%get3A_320, %get3A_321, %get3A_322] : memref<256x8x128xf32, #tpu.memory_space<vmem>>, vector<8x8x128xf32>
    %reshape3A_324 = vector.shape_cast %get3A_323 : vector<8x8x128xf32> to vector<64x128xf32>
    %slice3A_325 = vector.extract_strided_slice %reshape3A_324 {offsets = [0, 0], sizes = [64, 64], strides = [1, 1]} : vector<64x128xf32> to vector<64x64xf32>
    %slice3A_326 = vector.extract_strided_slice %reshape3A_324 {offsets = [0, 64], sizes = [64, 64], strides = [1, 1]} : vector<64x128xf32> to vector<64x64xf32>
    %dot_general3A_327 = arith.constant dense<0.000000e+00> : vector<64x128xf32>
    %dot_general3A_328 = tpu.matmul %slice3A_325, %convert_element_type3A_3, %dot_general3A_327 {dimension_numbers = #tpu.dot_dimension_numbers<[0], [0], [1], [1], [0, 1, 1, 1], [], []>, transpose_lhs_hint = false} : vector<64x64xf32>, vector<64x128xf32>, vector<64x128xf32> -> vector<64x128xf32>
    %dot_general3A_329 = arith.constant dense<0.000000e+00> : vector<64x128xf32>
    %dot_general3A_330 = tpu.matmul %slice3A_326, %convert_element_type3A_11, %dot_general3A_329 {dimension_numbers = #tpu.dot_dimension_numbers<[0], [0], [1], [1], [0, 1, 1, 1], [], []>, transpose_lhs_hint = false} : vector<64x64xf32>, vector<64x128xf32>, vector<64x128xf32> -> vector<64x128xf32>
    %add3A_331 = arith.addf %dot_general3A_328, %dot_general3A_330 : vector<64x128xf32>
    %get3A_332 = arith.constant 216 : index
    %get3A_333 = arith.constant 0 : index
    %get3A_334 = arith.constant 0 : index
    %get3A_335 = vector.load %arg1[%get3A_332, %get3A_333, %get3A_334] : memref<256x8x128xf32, #tpu.memory_space<vmem>>, vector<8x8x128xf32>
    %reshape3A_336 = vector.shape_cast %get3A_335 : vector<8x8x128xf32> to vector<64x128xf32>
    %slice3A_337 = vector.extract_strided_slice %reshape3A_336 {offsets = [0, 0], sizes = [64, 64], strides = [1, 1]} : vector<64x128xf32> to vector<64x64xf32>
    %slice3A_338 = vector.extract_strided_slice %reshape3A_336 {offsets = [0, 64], sizes = [64, 64], strides = [1, 1]} : vector<64x128xf32> to vector<64x64xf32>
    %dot_general3A_339 = arith.constant dense<0.000000e+00> : vector<64x128xf32>
    %dot_general3A_340 = tpu.matmul %slice3A_337, %convert_element_type3A_3, %dot_general3A_339 {dimension_numbers = #tpu.dot_dimension_numbers<[0], [0], [1], [1], [0, 1, 1, 1], [], []>, transpose_lhs_hint = false} : vector<64x64xf32>, vector<64x128xf32>, vector<64x128xf32> -> vector<64x128xf32>
    %dot_general3A_341 = arith.constant dense<0.000000e+00> : vector<64x128xf32>
    %dot_general3A_342 = tpu.matmul %slice3A_338, %convert_element_type3A_11, %dot_general3A_341 {dimension_numbers = #tpu.dot_dimension_numbers<[0], [0], [1], [1], [0, 1, 1, 1], [], []>, transpose_lhs_hint = false} : vector<64x64xf32>, vector<64x128xf32>, vector<64x128xf32> -> vector<64x128xf32>
    %add3A_343 = arith.addf %dot_general3A_340, %dot_general3A_342 : vector<64x128xf32>
    %get3A_344 = arith.constant 224 : index
    %get3A_345 = arith.constant 0 : index
    %get3A_346 = arith.constant 0 : index
    %get3A_347 = vector.load %arg1[%get3A_344, %get3A_345, %get3A_346] : memref<256x8x128xf32, #tpu.memory_space<vmem>>, vector<8x8x128xf32>
    %reshape3A_348 = vector.shape_cast %get3A_347 : vector<8x8x128xf32> to vector<64x128xf32>
    %slice3A_349 = vector.extract_strided_slice %reshape3A_348 {offsets = [0, 0], sizes = [64, 64], strides = [1, 1]} : vector<64x128xf32> to vector<64x64xf32>
    %slice3A_350 = vector.extract_strided_slice %reshape3A_348 {offsets = [0, 64], sizes = [64, 64], strides = [1, 1]} : vector<64x128xf32> to vector<64x64xf32>
    %dot_general3A_351 = arith.constant dense<0.000000e+00> : vector<64x128xf32>
    %dot_general3A_352 = tpu.matmul %slice3A_349, %convert_element_type3A_3, %dot_general3A_351 {dimension_numbers = #tpu.dot_dimension_numbers<[0], [0], [1], [1], [0, 1, 1, 1], [], []>, transpose_lhs_hint = false} : vector<64x64xf32>, vector<64x128xf32>, vector<64x128xf32> -> vector<64x128xf32>
    %dot_general3A_353 = arith.constant dense<0.000000e+00> : vector<64x128xf32>
    %dot_general3A_354 = tpu.matmul %slice3A_350, %convert_element_type3A_11, %dot_general3A_353 {dimension_numbers = #tpu.dot_dimension_numbers<[0], [0], [1], [1], [0, 1, 1, 1], [], []>, transpose_lhs_hint = false} : vector<64x64xf32>, vector<64x128xf32>, vector<64x128xf32> -> vector<64x128xf32>
    %add3A_355 = arith.addf %dot_general3A_352, %dot_general3A_354 : vector<64x128xf32>
    %get3A_356 = arith.constant 232 : index
    %get3A_357 = arith.constant 0 : index
    %get3A_358 = arith.constant 0 : index
    %get3A_359 = vector.load %arg1[%get3A_356, %get3A_357, %get3A_358] : memref<256x8x128xf32, #tpu.memory_space<vmem>>, vector<8x8x128xf32>
    %reshape3A_360 = vector.shape_cast %get3A_359 : vector<8x8x128xf32> to vector<64x128xf32>
    %slice3A_361 = vector.extract_strided_slice %reshape3A_360 {offsets = [0, 0], sizes = [64, 64], strides = [1, 1]} : vector<64x128xf32> to vector<64x64xf32>
    %slice3A_362 = vector.extract_strided_slice %reshape3A_360 {offsets = [0, 64], sizes = [64, 64], strides = [1, 1]} : vector<64x128xf32> to vector<64x64xf32>
    %dot_general3A_363 = arith.constant dense<0.000000e+00> : vector<64x128xf32>
    %dot_general3A_364 = tpu.matmul %slice3A_361, %convert_element_type3A_3, %dot_general3A_363 {dimension_numbers = #tpu.dot_dimension_numbers<[0], [0], [1], [1], [0, 1, 1, 1], [], []>, transpose_lhs_hint = false} : vector<64x64xf32>, vector<64x128xf32>, vector<64x128xf32> -> vector<64x128xf32>
    %dot_general3A_365 = arith.constant dense<0.000000e+00> : vector<64x128xf32>
    %dot_general3A_366 = tpu.matmul %slice3A_362, %convert_element_type3A_11, %dot_general3A_365 {dimension_numbers = #tpu.dot_dimension_numbers<[0], [0], [1], [1], [0, 1, 1, 1], [], []>, transpose_lhs_hint = false} : vector<64x64xf32>, vector<64x128xf32>, vector<64x128xf32> -> vector<64x128xf32>
    %add3A_367 = arith.addf %dot_general3A_364, %dot_general3A_366 : vector<64x128xf32>
    %get3A_368 = arith.constant 240 : index
    %get3A_369 = arith.constant 0 : index
    %get3A_370 = arith.constant 0 : index
    %get3A_371 = vector.load %arg1[%get3A_368, %get3A_369, %get3A_370] : memref<256x8x128xf32, #tpu.memory_space<vmem>>, vector<8x8x128xf32>
    %reshape3A_372 = vector.shape_cast %get3A_371 : vector<8x8x128xf32> to vector<64x128xf32>
    %slice3A_373 = vector.extract_strided_slice %reshape3A_372 {offsets = [0, 0], sizes = [64, 64], strides = [1, 1]} : vector<64x128xf32> to vector<64x64xf32>
    %slice3A_374 = vector.extract_strided_slice %reshape3A_372 {offsets = [0, 64], sizes = [64, 64], strides = [1, 1]} : vector<64x128xf32> to vector<64x64xf32>
    %dot_general3A_375 = arith.constant dense<0.000000e+00> : vector<64x128xf32>
    %dot_general3A_376 = tpu.matmul %slice3A_373, %convert_element_type3A_3, %dot_general3A_375 {dimension_numbers = #tpu.dot_dimension_numbers<[0], [0], [1], [1], [0, 1, 1, 1], [], []>, transpose_lhs_hint = false} : vector<64x64xf32>, vector<64x128xf32>, vector<64x128xf32> -> vector<64x128xf32>
    %dot_general3A_377 = arith.constant dense<0.000000e+00> : vector<64x128xf32>
    %dot_general3A_378 = tpu.matmul %slice3A_374, %convert_element_type3A_11, %dot_general3A_377 {dimension_numbers = #tpu.dot_dimension_numbers<[0], [0], [1], [1], [0, 1, 1, 1], [], []>, transpose_lhs_hint = false} : vector<64x64xf32>, vector<64x128xf32>, vector<64x128xf32> -> vector<64x128xf32>
    %add3A_379 = arith.addf %dot_general3A_376, %dot_general3A_378 : vector<64x128xf32>
    %get3A_380 = arith.constant 248 : index
    %get3A_381 = arith.constant 0 : index
    %get3A_382 = arith.constant 0 : index
    %get3A_383 = vector.load %arg1[%get3A_380, %get3A_381, %get3A_382] : memref<256x8x128xf32, #tpu.memory_space<vmem>>, vector<8x8x128xf32>
    %reshape3A_384 = vector.shape_cast %get3A_383 : vector<8x8x128xf32> to vector<64x128xf32>
    %slice3A_385 = vector.extract_strided_slice %reshape3A_384 {offsets = [0, 0], sizes = [64, 64], strides = [1, 1]} : vector<64x128xf32> to vector<64x64xf32>
    %slice3A_386 = vector.extract_strided_slice %reshape3A_384 {offsets = [0, 64], sizes = [64, 64], strides = [1, 1]} : vector<64x128xf32> to vector<64x64xf32>
    %dot_general3A_387 = arith.constant dense<0.000000e+00> : vector<64x128xf32>
    %dot_general3A_388 = tpu.matmul %slice3A_385, %convert_element_type3A_3, %dot_general3A_387 {dimension_numbers = #tpu.dot_dimension_numbers<[0], [0], [1], [1], [0, 1, 1, 1], [], []>, transpose_lhs_hint = false} : vector<64x64xf32>, vector<64x128xf32>, vector<64x128xf32> -> vector<64x128xf32>
    %dot_general3A_389 = arith.constant dense<0.000000e+00> : vector<64x128xf32>
    %dot_general3A_390 = tpu.matmul %slice3A_386, %convert_element_type3A_11, %dot_general3A_389 {dimension_numbers = #tpu.dot_dimension_numbers<[0], [0], [1], [1], [0, 1, 1, 1], [], []>, transpose_lhs_hint = false} : vector<64x64xf32>, vector<64x128xf32>, vector<64x128xf32> -> vector<64x128xf32>
    %add3A_391 = arith.addf %dot_general3A_388, %dot_general3A_390 : vector<64x128xf32>
    %concatenate3A = tpu.concatenate %add3A_19, %add3A_31, %add3A_43, %add3A_55, %add3A_67, %add3A_79, %add3A_91, %add3A_103, %add3A_115, %add3A_127, %add3A_139, %add3A_151, %add3A_163, %add3A_175, %add3A_187, %add3A_199, %add3A_211, %add3A_223, %add3A_235, %add3A_247, %add3A_259, %add3A_271, %add3A_283, %add3A_295, %add3A_307, %add3A_319, %add3A_331, %add3A_343, %add3A_355, %add3A_367, %add3A_379, %add3A_391 in 1 : vector<64x128xf32>, vector<64x128xf32>, vector<64x128xf32>, vector<64x128xf32>, vector<64x128xf32>, vector<64x128xf32>, vector<64x128xf32>, vector<64x128xf32>, vector<64x128xf32>, vector<64x128xf32>, vector<64x128xf32>, vector<64x128xf32>, vector<64x128xf32>, vector<64x128xf32>, vector<64x128xf32>, vector<64x128xf32>, vector<64x128xf32>, vector<64x128xf32>, vector<64x128xf32>, vector<64x128xf32>, vector<64x128xf32>, vector<64x128xf32>, vector<64x128xf32>, vector<64x128xf32>, vector<64x128xf32>, vector<64x128xf32>, vector<64x128xf32>, vector<64x128xf32>, vector<64x128xf32>, vector<64x128xf32>, vector<64x128xf32>, vector<64x128xf32> -> vector<64x4096xf32>
    %reshape3A_392 = vector.shape_cast %concatenate3A : vector<64x4096xf32> to vector<1x64x4096xf32>
    %swap3A = arith.constant 0 : index
    %swap3A_393 = arith.constant 0 : index
    %swap3A_394 = arith.constant 0 : index
    %swap3A_395 = vector.load %arg2[%swap3A, %swap3A_393, %swap3A_394] : memref<1x64x4096xf32, #tpu.memory_space<vmem>>, vector<1x64x4096xf32>
    tpu.vector_store %arg2[%swap3A, %swap3A_393, %swap3A_394], %reshape3A_392 {strides = array<i32>} : memref<1x64x4096xf32, #tpu.memory_space<vmem>>, vector<1x64x4096xf32>,
    return
  }
  func.func @transform_0(%arg0: i32) -> (i32, i32, i32) {
    %c0_i32 = arith.constant 0 : i32
    %c0_i32_0 = arith.constant 0 : i32
    %c0_i32_1 = arith.constant 0 : i32
    return %arg0, %c0_i32, %c0_i32_0 : i32, i32, i32
  }
  func.func @transform_1(%arg0: i32) -> (i32, i32, i32) {
    %jit3A = arith.constant 1 : i32
    %div3A = arith.divsi %arg0, %jit3A : i32
    %sign3A = arith.constant 0 : i32
    %sign3A_0 = arith.cmpi sgt, %arg0, %sign3A : i32
    %sign3A_1 = arith.extui %sign3A_0 : i1 to i32
    %sign3A_2 = arith.constant 0 : i32
    %sign3A_3 = arith.cmpi slt, %arg0, %sign3A_2 : i32
    %sign3A_4 = arith.extui %sign3A_3 : i1 to i32
    %sign3A_5 = arith.subi %sign3A_1, %sign3A_4 : i32
    %sign3A_6 = arith.constant 0 : i32
    %sign3A_7 = arith.cmpi sgt, %jit3A, %sign3A_6 : i32
    %sign3A_8 = arith.extui %sign3A_7 : i1 to i32
    %sign3A_9 = arith.constant 0 : i32
    %sign3A_10 = arith.cmpi slt, %jit3A, %sign3A_9 : i32
    %sign3A_11 = arith.extui %sign3A_10 : i1 to i32
    %sign3A_12 = arith.subi %sign3A_8, %sign3A_11 : i32
    %ne3A = arith.cmpi ne, %sign3A_5, %sign3A_12 : i32
    %rem3A = arith.remsi %arg0, %jit3A : i32
    %ne3A_13 = arith.constant 0 : i32
    %ne3A_14 = arith.cmpi ne, %rem3A, %ne3A_13 : i32
    %and3A = arith.andi %ne3A, %ne3A_14 : i1
    %sub3A = arith.constant 1 : i32
    %sub3A_15 = arith.subi %div3A, %sub3A : i32
    %select_n3A = arith.select %and3A, %sub3A_15, %div3A : i32
    %jit3A_16 = arith.constant 1 : i32
    %eq3A = arith.constant 0 : i32
    %eq3A_17 = arith.cmpi eq, %jit3A_16, %eq3A : i32
    %jit3A_18 = arith.constant 1 : i32
    %select_n3A_19 = arith.select %eq3A_17, %jit3A_18, %jit3A_16 : i32
    %rem3A_20 = arith.remsi %arg0, %select_n3A_19 : i32
    %ne3A_21 = arith.constant 0 : i32
    %ne3A_22 = arith.cmpi ne, %rem3A_20, %ne3A_21 : i32
    %lt3A = arith.constant 0 : i32
    %lt3A_23 = arith.cmpi slt, %rem3A_20, %lt3A : i32
    %lt3A_24 = arith.constant 0 : i32
    %lt3A_25 = arith.cmpi slt, %select_n3A_19, %lt3A_24 : i32
    %ne3A_26 = arith.xori %lt3A_23, %lt3A_25 : i1
    %and3A_27 = arith.andi %ne3A_26, %ne3A_22 : i1
    %add3A = arith.addi %rem3A_20, %select_n3A_19 : i32
    %select_n3A_28 = arith.select %and3A_27, %add3A, %rem3A_20 : i32
    %c0_i32 = arith.constant 0 : i32
    %c0_i32_29 = arith.constant 0 : i32
    return %select_n3A, %c0_i32, %select_n3A_28 : i32, i32, i32
  }
}

</mosaic_0001>

<sc_bundles>
// kernel: kernel.5.cloned.1.call-start
scs
__scs_entry_jumppad:
0x0: {  	(pc) =	sbr.rel $0x88, $3  }
0x1: {  	(tag) =	ssettag $0x0;
	lr =	simm.s32 $0x1  }
0x2: {  	[smem:$0x3F9F] =	sst lr;
	_ =	strace $0xD0000000  }
0x3: {  	_ = 	snop  }
0x4: {  	_ = 	snop  }
0x5: {  	_ = 	snop  }
0x6: {  	_ = 	snop  }
0x7: {  	_ = 	snop  }
__scs_overlays_trampoline_lowered:
0x8: {  	[smem:$0x3FAE] =	sst s0  }
0x9: {  	[smem:$0x3FAF] =	sst s1  }
0xa: {  	[smem:$0x3FB0] =	sst s2  }
0xb: {  	[smem:$0x3FB1] =	sst s3  }
0xc: {  	[smem:$0x3FB2] =	sst s4  }
0xd: {  	[smem:$0x3FB3] =	sst s5  }
0xe: {  	[smem:$0x3FB4] =	sst s6  }
0xf: {  	[smem:$0x3FB5] =	sst s7  }
0x10: {  	[smem:$0x3FB6] =	sst s8  }
0x11: {  	[smem:$0x3FB7] =	sst s9;
	s0 =	simm.s32 @!p0 $0x0  }
0x12: {  	s1 =	sld [smem:$0x3F9D];
	s0 =	simm.s32 @p0 $0x1  }
0x13: {  	[smem:$0x3FB8] =	sst s0;
	s0 =	simm.s32 @!p1 $0x0  }
0x14: {  	s2 =	sld [smem:$0x3F9C];
	s0 =	simm.s32 @p1 $0x1  }
0x15: {  	[smem:$0x3FB9] =	sst s0;
	s0 =	simm.s32 @!p2 $0x0  }
0x16: {  	s3 =	sld [smem:$0x3FDB];
	s0 =	simm.s32 @p2 $0x1  }
0x17: {  	s4 =	simm.s32 $0x1BF5;
	[smem:$0x3FBB] =	sst s0  }
0x18: {  	s0 =	sld [smem:$0x3F9E];
	_ =	swait.ge [sflag:s4], $0x0  }
0x19: {  	s7 =	sld [smem:$0x3F9F]  }
0x1a: {  	s8 =	sadd.s32 $0xFFFFE003, lr  }
0x1b: {  	s9 =	sadd.s32 $0xFFFFFEF7, lr;
	s5 =	simm.s32 $0xFFFFFFFF;
	p2 =	slt.u32 s8, $0xFFFFF086  }
0x1c: {  	p1 =	slt.u32 s9, $0xF7A;
	s5 =	simm.s32 @!p2 $0x0  }
0x1d: {  	s5 =	simm.s32 @p1 $0x1;
	p0 =	seq.s32 s7, s2  }
0x1e: {  	s7 =	smul.u32 @!p0 $0xF7A, s2;
	p2 =	seq.s32 @!p0 s5, $0x0  }
0x1f: {  	s9 =	smul.u32 $0xF7A, s1;
	s8 =	simm.s32 @!p0 $0x1BF5;
	p2 =	por !p2, p0  }
0x20: {  	[sflag:s8] =	ssyncset.s32 @!p0 $0xFFFFF086;
	s6 =	sadd.s32 @!p0 s3, s7;
	s7 =	simm.s32 @!p0 $0x108  }
0x21: {  	s3 =	sadd.s32 s3, s9;
	s6 =	sadd.s32 @!p0 $0x88, s6;
	s7 =	simm.s32 @p2 $0x1082  }
0x22: {  	[simem:s7], [sflag:s8] =	dma.local @!p0 [hbm:s6], $0xF7A  }
0x23: {  	s9 =	sor.u32 $0xD0000000, s2;
	s6 =	simm.s32 $0x108;
	_ =	swait.ge @!p0 [sflag:s8], $0x0  }
0x24: {  	s3 =	sadd.s32 $0x88, s3;
	s6 =	simm.s32 @!p1 $0x1082;
	[sflag:s4] =	ssyncset.s32 $0xFFFFF086  }
0x25: {  	[simem:s6], [sflag:s4] =	dma.local [hbm:s3], $0xF7A  }
0x26: {  	[smem:$0x3F9F] =	sst s1;
	(tag) =	ssettag s2;
	_ =	strace s9  }
0x27: {  	s1 =	sld [smem:$0x3FAF]  }
0x28: {  	s2 =	sld [smem:$0x3FB0]  }
0x29: {  	s4 =	sld [smem:$0x3FB2]  }
0x2a: {  	p0 =	seq.s32 s5, $0x0;
	s5 =	sld [smem:$0x3FB3]  }
0x2b: {  	s6 =	sld [smem:$0x3FB4]  }
0x2c: {  	s7 =	sld [smem:$0x3FB5]  }
0x2d: {  	s3 =	simm.s32 $0x108;
	s8 =	sld [smem:$0x3FB6]  }
0x2e: {  	s3 =	simm.s32 @!p0 $0x1082;
	s9 =	sld [smem:$0x3FB7]  }
0x2f: {  	lr =	sadd.s32 s0, s3;
	s0 =	sld [smem:$0x3FAE]  }
0x30: {  	s3 =	sld [smem:$0x3FB1]  }
0x31: {  	[smem:$0x3FBA] =	sst s10  }
0x32: {  	s10 =	sld [smem:$0x3FB8];
	_ =	sdelay $0x3  }
0x33: {  	p0 =	seq.s32 s10, $0x1;
	s10 =	sld [smem:$0x3FBA];
	_ =	sdelay $0x3  }
0x34: {  	[smem:$0x3FBA] =	sst s10  }
0x35: {  	s10 =	sld [smem:$0x3FB9];
	_ =	sdelay $0x3  }
0x36: {  	p1 =	seq.s32 s10, $0x1;
	s10 =	sld [smem:$0x3FBA];
	_ =	sdelay $0x3  }
0x37: {  	[smem:$0x3FBA] =	sst s10  }
0x38: {  	s10 =	sld [smem:$0x3FBB]  }
0x39: {  	_ = 	snop;
	(pc) =	sbr.ind lr, $3  }
0x3a: {  	_ = 	snop  }
0x3b: {  	_ = 	snop  }
0x3c: {  	p2 =	seq.s32 s10, $0x1;
	s10 =	sld [smem:$0x3FBA]  }
0x3d: {  	_ =	shalt  }
0x3e: {  	_ =	shalt  }
0x3f: {  	_ =	shalt  }
0x40: {  	_ =	shalt  }
0x41: {  	_ =	shalt  }
0x42: {  	_ =	shalt  }
0x43: {  	_ =	shalt  }
0x44: {  	_ =	shalt  }
0x45: {  	_ =	shalt  }
0x46: {  	_ =	shalt  }
0x47: {  	_ =	shalt  }
0x48: {  	_ =	shalt  }
0x49: {  	_ =	shalt  }
0x4a: {  	_ =	shalt  }
0x4b: {  	_ =	shalt  }
0x4c: {  	_ =	shalt  }
0x4d: {  	_ =	shalt  }
0x4e: {  	_ =	shalt  }
0x4f: {  	_ =	shalt  }
0x50: {  	_ =	shalt  }
0x51: {  	_ =	shalt  }
0x52: {  	_ =	shalt  }
0x53: {  	_ =	shalt  }
0x54: {  	_ =	shalt  }
0x55: {  	_ =	shalt  }
0x56: {  	_ =	shalt  }
0x57: {  	_ =	shalt  }
0x58: {  	_ =	shalt  }
0x59: {  	_ =	shalt  }
0x5a: {  	_ =	shalt  }
0x5b: {  	_ =	shalt  }
0x5c: {  	_ =	shalt  }
0x5d: {  	_ =	shalt  }
0x5e: {  	_ =	shalt  }
0x5f: {  	_ =	shalt  }
0x60: {  	_ =	shalt  }
0x61: {  	_ =	shalt  }
0x62: {  	_ =	shalt  }
0x63: {  	_ =	shalt  }
0x64: {  	_ =	shalt  }
0x65: {  	_ =	shalt  }
0x66: {  	_ =	shalt  }
0x67: {  	_ =	shalt  }
0x68: {  	_ =	shalt  }
0x69: {  	_ =	shalt  }
0x6a: {  	_ =	shalt  }
0x6b: {  	_ =	shalt  }
0x6c: {  	_ =	shalt  }
0x6d: {  	_ =	shalt  }
0x6e: {  	_ =	shalt  }
0x6f: {  	_ =	shalt  }
0x70: {  	_ =	shalt  }
0x71: {  	_ =	shalt  }
0x72: {  	_ =	shalt  }
0x73: {  	_ =	shalt  }
0x74: {  	_ =	shalt  }
0x75: {  	_ =	shalt  }
0x76: {  	_ =	shalt  }
0x77: {  	_ =	shalt  }
0x78: {  	_ =	shalt  }
0x79: {  	_ =	shalt  }
0x7a: {  	_ =	shalt  }
0x7b: {  	_ =	shalt  }
0x7c: {  	_ =	shalt  }
0x7d: {  	_ =	shalt  }
0x7e: {  	_ =	shalt  }
0x7f: {  	_ =	shalt  }
0x80: {  	_ =	shalt  }
0x81: {  	_ =	shalt  }
0x82: {  	_ =	shalt  }
0x83: {  	_ =	shalt  }
0x84: {  	_ =	shalt  }
0x85: {  	_ =	shalt  }
0x86: {  	_ =	shalt  }
0x87: {  	_ =	shalt  }
.Lfunc_end0:
.L_simem_size_0:
called_computation_lowered:
.L_overlay_start_0:
0x88: {  	s2 =	sld [smem:$0x3FD9]  }
0x89: {  	s3 =	sld [smem:$0x3FFE];
	_ =	sdelay $0x1  }
0x8a: {  	s1 =	srdreg.scid  }
0x8b: {  	s0 =	sand.u32 $0x1, s1  }
0x8c: {  	s14 =	sshll.u32 s0, $0xA;
	s2 =	sadd.s32 s3, s2  }
0x8d: {  	s2 =	sadd.s32 s2, s14  }
0x8e: {  	[smem:$0x3FC6] =	sst s2  }
0x8f: {  	_ = 	snop  }
0x90: {  	s2 =	sld [smem:$0x3FD0];
	_ =	sdelay $0x2  }
0x91: {  	s15 =	simm.s32 $0xA;
	s4 =	simm.s32 $0x10  }
0x92: {  	[smem:s4], [sflag:s15] =	dma.local [hbm:s2], $0x1  }
0x93: {  	_ =	swait.eq [sflag:s15], $0x1  }
0x94: {  	[sflag:s15] =	ssyncset.done $0x0  }
0x95: {  	[sflag:s15] =	ssyncadd.s32 $0xFFFFFFFF  }
0x96: {  	s16 =	sld [smem:$0x10];
	(tm) =	ssettm $0x1  }
0x97: {  	s17 =	sld [smem:$0x3FFB];
	_ =	sdelay $0x3  }
0x98: {  	_ =	strace s17  }
0x99: {  	s3 =	sld [smem:$0x3FFC];
	_ =	sdelay $0x3  }
0x9a: {  	_ =	strace s3  }
0x9b: {  	s3 =	sld [smem:$0x3FFD];
	_ =	sdelay $0x3  }
0x9c: {  	_ =	strace s3  }
0x9d: {  	_ =	strace $0x8FFFFFFF  }
0x9e: {  	s18 =	sld [smem:$0x3FDB];
	_ =	sdelay $0x1  }
0x9f: {  	s19 =	simm.s32 $_scs_section_size  }
0xa0: {  	s5 =	simm.s32 $_size__tile_overlayer_lowered;
	s6 =	simm.s32 $_tile_overlayer_lowered  }
0xa1: {  	s22 =	simm.s32 $0x1BFF;
	s21 =	sshll.u32 s6, $0x1;
	s3 =	sadd.s32 s19, s18  }
0xa2: {  	s7 =	simm.s32 $0x0;
	s20 =	sshll.u32 s5, $0x1;
	s5 =	sadd.s32 s21, s3  }
0xa3: {  	[timem:s7], [sflag:s22] =	dma.local [hbm:s5], s20  }
0xa4: {  	_ =	swait.ge [sflag:s22], s20  }
0xa5: {  	s4 =	ssub.s32 $0x0, s20;
	[sflag:s22] =	ssyncset.done $0x0  }
0xa6: {  	[sflag:s22] =	ssyncadd.s32 s4;
	_ =	sdelay $0x1  }
0xa7: {  	s23 =	simm.s32 $0x1B8B  }
0xa8: {  	_ =	swait.ge [sflag:s23], $0x1  }
0xa9: {  	[sflag:s23] =	ssyncset.done $0x0  }
0xaa: {  	s25 =	simm.s32 $0x1B8E;
	s24 =	sld [smem:$0x3FFE];
	[sflag:s23] =	ssyncadd.s32 $0xFFFFFFFF  }
0xab: {  	s26 =	simm.s32 $execute0_lowered;
	[smem:$0x3FD2] =	sst s25  }
0xac: {  	s5 =	sshll.u32 s26, $0x1;
	_ =	strace $0x80000046;
	[dreg:$0x1] =	wrdreg $0xFFFFFFFF  }
0xad: {  	s28 =	simm.s32 $_size_execute0_lowered;
	s3 =	sadd.s32 s3, s5;
	[dreg:$0x0] =	wrdreg $0x0  }
0xae: {  	s5 =	sshll.u32 s28, $0x1;
	[dreg:$0x2] =	wrdreg s3  }
0xaf: {  	[dreg:$0x3] =	wrdreg s5  }
0xb0: {  	[dreg:$0x4] =	wrdreg $0xC0  }
0xb1: {  	_ =	task [dreg:s7], $0x5FFFF  }
0xb2: {  	[dreg:$0x1] =	wrdreg $0xFFFFFFFF  }
0xb3: {  	[dreg:$0x0] =	wrdreg $0x60  }
0xb4: {  	[dreg:$0x2] =	wrdreg s16  }
0xb5: {  	[dreg:$0x3] =	wrdreg s24  }
0xb6: {  	[dreg:$0x4] =	wrdreg $0x9  }
0xb7: {  	_ =	task.clear_ibuf [dreg:s7], $0x5FFFF;
	_ =	strace $0x90000046  }
0xb8: {  	s29 =	simm.s32 $0x9;
	_ =	strace $0x80000048  }
0xb9: {  	_ =	swait.ge [sflag:s29], $0x1  }
0xba: {  	[sflag:s29] =	ssyncadd.s32 $0xFFFFFFFF  }
0xbb: {  	_ =	strace $0x90000048  }
0xbc: {  	_ =	sfence  }
0xbd: {  	s30 =	sld [smem:$0x0];
	_ =	sdelay $0x2  }
0xbe: {  	s31 =	sshll.u32 s1, $0xD;
	s1 =	sshrl.u32 s1, $0x2  }
0xbf: {  	s3 =	sand.u32 $0x4000, s31;
	s1 =	sadd.s32 s1, s30  }
0xc0: {  	s0 =	sor.u32 s3, s0;
	s1 =	sshll.u32 s1, $0x11  }
0xc1: {  	s0 =	sor.u32 s1, s0  }
0xc2: {  	s0 =	sadd.s32 $0x8F2B, s0  }
0xc3: {  	[sflag:s0] =	ssyncadd.remote.s32 $0x1  }
0xc4: {  	_ =	sfence.sel $0xFFFF  }
0xc5: {  	[dreg:$0x0] =	wrdreg $0xFFFFFFFF;
	(pc) =	sbr.abs _section_cstart, $3  }
0xc6: {  	[dreg:$0x1] =	wrdreg $0xFFFFFFFF  }
0xc7: {  	_ =	task.clear_ibuf [dreg:s7], $0x2FFFF;
	_ =	strace $0x9FFFFFFF  }
0xc8: {  	(tm) =	ssettm $0x7FFFFFFF  }
0xc9: {  	_ =	shalt  }
tec
execute0_lowered:
.L_overlay_start_1:
0x0: {  	(tag) =	ssettag $0x1  }
0x1: {  	s0 =	rddreg [dreg:$0x0]  }
0x2: {  	s1 =	srdreg.scid;
	s8 =	stileid.u32  }
0x3: {  	s4 =	rddreg [dreg:$0x1];
	s2 =	simm.s32 $0x0;
	s13 =	simm.s32 $0x5  }
0x4: {  	s14 =	simm.s32 $0x80;
	s15 =	simm.s32 $0x6400;
	s16 =	simm.s32 $0x8400  }
0x5: {  	s18 =	simm.s32 $0xA400;
	s20 =	simm.s32 $0xC400;
	s21 =	simm.s32 $0x1  }
0x6: {  	s23 =	simm.s32 $0xE400;
	s28 =	simm.s32 $0x12400;
	s30 =	simm.s32 $0x14400  }
0x7: {  	s1 =	sand.u32 $0x1, s1;
	s3 =	sshll.u32 s8, $0x1;
	s8 =	smul.u32 $0x320000, s8  }
0x8: {  	s3 =	sor.u32 s1, s3;
	s7 =	ssub.s32 $0x2, s1;
	s1 =	smul.u32 $0x190000, s1  }
0x9: {  	s31 =	simm.s32 $0x2;
	[smem:$0x7FF] =	sst s2;
	s5 =	smul.u32 $0xC80, s3  }
0xa: {  	s19 =	simm.s32 $0x0;
	_ =	strace $0x80000047;
	s6 =	smul.u32 $0x190000, s3  }
0xb: {  	s3 =	sadd.s32 $0xF42C00, s4;
	s4 =	sadd.s32 $0x800, s4;
	s9 =	sshrl.u32 s7, $0x1  }
0xc: {  	s7 =	ssub.s32 s7, s9;
	s26 =	sadd.s32 s1, s8;
	s0 =	sadd.s32 s0, s5  }
0xd: {  	s24 =	sshrl.u32 s6, $0x3;
	s25 =	smax.u32 s7, $0x1;
	[dreg:$0x3] =	wrdreg s0  }
0xe: {  	s1 =	sadd.s32 $0x18000, s26;
	s11 =	sadd.s32 $0x10000, s26;
	[dreg:$0x4] =	wrdreg s25  }
0xf: {  	s7 =	sadd.s32 s4, s24;
	s29 =	sshrl.u32 s1, $0x3;
	s25 =	simm.s32 $0x10400  }
0x10: {  	s1 =	simm.s32 $0x3;
	s24 =	simm.s32 $0x4;
	s8 =	sadd.s32 $0x1000, s7  }
0x11: {  	s9 =	sadd.s32 $0x30000, s7;
	s10 =	sadd.s32 $0x31000, s7;
	s0 =	sadd.s32 s29, s4  }
.LBB2_1:
0x12: {  	s5 =	rddreg [dreg:$0x3]  }
0x13: {  	[tilespmem:s2], [sflag:$0x5] =	stream.linear.gather [hbm4b:s5+s2], $0x6400, $0x38;
	[tilespmem:$0x16400] =	vst v63  }
0x14: {  	_ =	swait.ge [sflag:s13], $0x6400  }
0x15: {  	[sflag:s13] =	ssyncset.done $0x0  }
0x16: {  	[sflag:s13] =	ssyncadd.s32 $0xFFFF9C00  }
0x17: {  	[tilespmem:s15], [sflag:$0x1] =	stream.indirect.gather [hbm4b:s3+s14], $0x40, s2, s14, $0xb8;
	[tilespmem:$0x16400] =	vst v63  }
0x18: {  	_ = 	snop  }
0x19: {  	[tilespmem:s16], [sflag:$0x1] =	stream.indirect.gather [hbm4b:s3+s14], $0x40, s14, s14, $0xb8;
	[tilespmem:$0x16400] =	vst v63  }
0x1a: {  	s17 =	simm.s32 $0x100  }
0x1b: {  	[tilespmem:s18], [sflag:$0x1] =	stream.indirect.gather [hbm4b:s3+s14], $0x40, s17, s14, $0xb8;
	[tilespmem:$0x16400] =	vst v63  }
0x1c: {  	s22 =	simm.s32 $0x180  }
0x1d: {  	[tilespmem:s20], [sflag:$0x1] =	stream.indirect.gather [hbm4b:s3+s14], $0x40, s22, s14, $0xb8;
	[tilespmem:$0x16400] =	vst v63  }
0x1e: {  	_ =	swait.ge [sflag:s21], $0x2000  }
0x1f: {  	[sflag:s21] =	ssyncset.done $0x0  }
0x20: {  	[sflag:s21] =	ssyncadd.s32 $0xFFFFE000  }
0x21: {  	_ =	swait.ge [sflag:s21], $0x2000  }
0x22: {  	[sflag:s21] =	ssyncset.done $0x0  }
0x23: {  	[sflag:s21] =	ssyncadd.s32 $0xFFFFE000  }
0x24: {  	_ =	swait.ge [sflag:s21], $0x2000  }
0x25: {  	[sflag:s21] =	ssyncset.done $0x0  }
0x26: {  	[sflag:s21] =	ssyncadd.s32 $0xFFFFE000  }
0x27: {  	_ =	swait.ge [sflag:s21], $0x2000  }
0x28: {  	[sflag:s21] =	ssyncset.done $0x0  }
0x29: {  	s26 =	simm.s32 $0x200;
	[sflag:s21] =	ssyncadd.s32 $0xFFFFE000  }
0x2a: {  	[tilespmem:s23], [sflag:$0x2] =	stream.indirect.gather [hbm4b:s3+s14], $0x40, s26, s14, $0xb8;
	[tilespmem:$0x16400] =	vst v63  }
0x2b: {  	s6 =	simm.s32 $0x280  }
0x2c: {  	[tilespmem:s25], [sflag:$0x2] =	stream.indirect.gather [hbm4b:s3+s14], $0x40, s6, s14, $0xb8;
	[tilespmem:$0x16400] =	vst v63  }
0x2d: {  	s12 =	simm.s32 $0x300  }
0x2e: {  	[tilespmem:s28], [sflag:$0x2] =	stream.indirect.gather [hbm4b:s3+s14], $0x40, s12, s14, $0xb8;
	[tilespmem:$0x16400] =	vst v63  }
0x2f: {  	s17 =	simm.s32 $0x380  }
0x30: {  	[tilespmem:s30], [sflag:$0x2] =	stream.indirect.gather [hbm4b:s3+s14], $0x40, s17, s14, $0xb8;
	[tilespmem:$0x16400] =	vst v63  }
0x31: {  	_ = 	snop  }
0x32: {  	[hbm4b:s7+s2] =	stream.linear.scatter [tilespmem:s15], [sflag:$0x3], $0x8000, $0x38;
	[tilespmem:$0x16400] =	vst v63  }
0x33: {  	_ =	swait.ge [sflag:s31], $0x2000  }
0x34: {  	[sflag:s31] =	ssyncset.done $0x0  }
0x35: {  	[sflag:s31] =	ssyncadd.s32 $0xFFFFE000  }
0x36: {  	_ =	swait.ge [sflag:s31], $0x2000  }
0x37: {  	[sflag:s31] =	ssyncset.done $0x0  }
0x38: {  	[sflag:s31] =	ssyncadd.s32 $0xFFFFE000  }
0x39: {  	_ =	swait.ge [sflag:s31], $0x2000  }
0x3a: {  	[sflag:s31] =	ssyncset.done $0x0  }
0x3b: {  	[sflag:s31] =	ssyncadd.s32 $0xFFFFE000  }
0x3c: {  	_ =	swait.ge [sflag:s31], $0x2000  }
0x3d: {  	[sflag:s31] =	ssyncset.done $0x0  }
0x3e: {  	[sflag:s31] =	ssyncadd.s32 $0xFFFFE000  }
0x3f: {  	_ =	swait.ge [sflag:s1], $0x8000  }
0x40: {  	[sflag:s1] =	ssyncset.done $0x0  }
0x41: {  	s22 =	simm.s32 $0x400;
	[sflag:s1] =	ssyncadd.s32 $0xFFFF8000  }
0x42: {  	[tilespmem:s15], [sflag:$0x1] =	stream.indirect.gather [hbm4b:s3+s14], $0x40, s22, s14, $0xb8;
	[tilespmem:$0x16400] =	vst v63  }
0x43: {  	s26 =	simm.s32 $0x480  }
0x44: {  	[tilespmem:s16], [sflag:$0x1] =	stream.indirect.gather [hbm4b:s3+s14], $0x40, s26, s14, $0xb8;
	[tilespmem:$0x16400] =	vst v63  }
0x45: {  	s6 =	simm.s32 $0x500  }
0x46: {  	[tilespmem:s18], [sflag:$0x1] =	stream.indirect.gather [hbm4b:s3+s14], $0x40, s6, s14, $0xb8;
	[tilespmem:$0x16400] =	vst v63  }
0x47: {  	s12 =	simm.s32 $0x580  }
0x48: {  	[tilespmem:s20], [sflag:$0x1] =	stream.indirect.gather [hbm4b:s3+s14], $0x40, s12, s14, $0xb8;
	[tilespmem:$0x16400] =	vst v63  }
0x49: {  	_ = 	snop  }
0x4a: {  	[hbm4b:s8+s2] =	stream.linear.scatter [tilespmem:s23], [sflag:$0x4], $0x8000, $0x38;
	[tilespmem:$0x16400] =	vst v63  }
0x4b: {  	_ =	swait.ge [sflag:s21], $0x2000  }
0x4c: {  	[sflag:s21] =	ssyncset.done $0x0  }
0x4d: {  	[sflag:s21] =	ssyncadd.s32 $0xFFFFE000  }
0x4e: {  	_ =	swait.ge [sflag:s21], $0x2000  }
0x4f: {  	[sflag:s21] =	ssyncset.done $0x0  }
0x50: {  	[sflag:s21] =	ssyncadd.s32 $0xFFFFE000  }
0x51: {  	_ =	swait.ge [sflag:s21], $0x2000  }
0x52: {  	[sflag:s21] =	ssyncset.done $0x0  }
0x53: {  	[sflag:s21] =	ssyncadd.s32 $0xFFFFE000  }
0x54: {  	_ =	swait.ge [sflag:s21], $0x2000  }
0x55: {  	[sflag:s21] =	ssyncset.done $0x0  }
0x56: {  	[sflag:s21] =	ssyncadd.s32 $0xFFFFE000  }
0x57: {  	_ =	swait.ge [sflag:s24], $0x8000  }
0x58: {  	[sflag:s24] =	ssyncset.done $0x0  }
0x59: {  	s12 =	simm.s32 $0x600;
	[sflag:s24] =	ssyncadd.s32 $0xFFFF8000  }
0x5a: {  	[tilespmem:s23], [sflag:$0x2] =	stream.indirect.gather [hbm4b:s3+s14], $0x40, s12, s14, $0xb8;
	[tilespmem:$0x16400] =	vst v63  }
0x5b: {  	s17 =	simm.s32 $0x680  }
0x5c: {  	[tilespmem:s25], [sflag:$0x2] =	stream.indirect.gather [hbm4b:s3+s14], $0x40, s17, s14, $0xb8;
	[tilespmem:$0x16400] =	vst v63  }
0x5d: {  	s22 =	simm.s32 $0x700  }
0x5e: {  	[tilespmem:s28], [sflag:$0x2] =	stream.indirect.gather [hbm4b:s3+s14], $0x40, s22, s14, $0xb8;
	[tilespmem:$0x16400] =	vst v63  }
0x5f: {  	s26 =	simm.s32 $0x780;
	s17 =	sshrl.u32 s11, $0x3  }
0x60: {  	[tilespmem:s30], [sflag:$0x2] =	stream.indirect.gather [hbm4b:s3+s14], $0x40, s26, s14, $0xb8;
	[tilespmem:$0x16400] =	vst v63  }
0x61: {  	s5 =	sadd.s32 s4, s17  }
0x62: {  	[hbm4b:s5+s2] =	stream.linear.scatter [tilespmem:s15], [sflag:$0x3], $0x8000, $0x38;
	[tilespmem:$0x16400] =	vst v63  }
0x63: {  	_ =	swait.ge [sflag:s31], $0x2000  }
0x64: {  	[sflag:s31] =	ssyncset.done $0x0  }
0x65: {  	[sflag:s31] =	ssyncadd.s32 $0xFFFFE000  }
0x66: {  	_ =	swait.ge [sflag:s31], $0x2000  }
0x67: {  	[sflag:s31] =	ssyncset.done $0x0  }
0x68: {  	[sflag:s31] =	ssyncadd.s32 $0xFFFFE000  }
0x69: {  	_ =	swait.ge [sflag:s31], $0x2000  }
0x6a: {  	[sflag:s31] =	ssyncset.done $0x0  }
0x6b: {  	[sflag:s31] =	ssyncadd.s32 $0xFFFFE000  }
0x6c: {  	_ =	swait.ge [sflag:s31], $0x2000  }
0x6d: {  	[sflag:s31] =	ssyncset.done $0x0  }
0x6e: {  	[sflag:s31] =	ssyncadd.s32 $0xFFFFE000  }
0x6f: {  	_ =	swait.ge [sflag:s1], $0x8000  }
0x70: {  	[sflag:s1] =	ssyncset.done $0x0  }
0x71: {  	s6 =	simm.s32 $0x800;
	[sflag:s1] =	ssyncadd.s32 $0xFFFF8000  }
0x72: {  	[tilespmem:s15], [sflag:$0x1] =	stream.indirect.gather [hbm4b:s3+s14], $0x40, s6, s14, $0xb8;
	[tilespmem:$0x16400] =	vst v63  }
0x73: {  	s17 =	simm.s32 $0x880  }
0x74: {  	[tilespmem:s16], [sflag:$0x1] =	stream.indirect.gather [hbm4b:s3+s14], $0x40, s17, s14, $0xb8;
	[tilespmem:$0x16400] =	vst v63  }
0x75: {  	s22 =	simm.s32 $0x900  }
0x76: {  	[tilespmem:s18], [sflag:$0x1] =	stream.indirect.gather [hbm4b:s3+s14], $0x40, s22, s14, $0xb8;
	[tilespmem:$0x16400] =	vst v63  }
0x77: {  	s29 =	sadd.s32 $0x2000, s0;
	s26 =	simm.s32 $0x980  }
0x78: {  	[tilespmem:s20], [sflag:$0x1] =	stream.indirect.gather [hbm4b:s3+s14], $0x40, s26, s14, $0xb8;
	[tilespmem:$0x16400] =	vst v63  }
0x79: {  	s12 =	smov.u32 s0;
	s22 =	simm.s32 $0x1000;
	s26 =	sadd.s32 $0x10000, s11  }
.LBB2_2:
0x7a: {  	[hbm4b:s12+s2] =	stream.linear.scatter [tilespmem:s23], [sflag:$0x4], $0x8000, $0x38;
	[tilespmem:$0x16400] =	vst v63  }
0x7b: {  	s17 =	smov.u32 s22;
	s12 =	smov.u32 s29  }
0x7c: {  	p0 =	sne.s32 s22, $0x16000;
	s22 =	sadd.s32 $0x1000, s22;
	_ =	swait.ge [sflag:s21], $0x2000  }
0x7d: {  	[sflag:s21] =	ssyncset.done $0x0  }
0x7e: {  	[sflag:s21] =	ssyncadd.s32 $0xFFFFE000  }
0x7f: {  	_ =	swait.ge [sflag:s21], $0x2000  }
0x80: {  	[sflag:s21] =	ssyncset.done $0x0  }
0x81: {  	[sflag:s21] =	ssyncadd.s32 $0xFFFFE000  }
0x82: {  	_ =	swait.ge [sflag:s21], $0x2000  }
0x83: {  	[sflag:s21] =	ssyncset.done $0x0  }
0x84: {  	[sflag:s21] =	ssyncadd.s32 $0xFFFFE000  }
0x85: {  	_ =	swait.ge [sflag:s21], $0x2000  }
0x86: {  	[sflag:s21] =	ssyncset.done $0x0  }
0x87: {  	[sflag:s21] =	ssyncadd.s32 $0xFFFFE000  }
0x88: {  	_ =	swait.ge [sflag:s24], $0x8000  }
0x89: {  	s17 =	sshra.s32 s17, $0x2;
	[sflag:s24] =	ssyncset.done $0x0  }
0x8a: {  	s5 =	sadd.s32 $0x600, s17;
	[sflag:s24] =	ssyncadd.s32 $0xFFFF8000  }
0x8b: {  	[tilespmem:s23], [sflag:$0x2] =	stream.indirect.gather [hbm4b:s3+s14], $0x40, s5, s14, $0xb8;
	[tilespmem:$0x16400] =	vst v63  }
0x8c: {  	s5 =	sadd.s32 $0x680, s17  }
0x8d: {  	[tilespmem:s25], [sflag:$0x2] =	stream.indirect.gather [hbm4b:s3+s14], $0x40, s5, s14, $0xb8;
	[tilespmem:$0x16400] =	vst v63  }
0x8e: {  	s5 =	sadd.s32 $0x700, s17  }
0x8f: {  	[tilespmem:s28], [sflag:$0x2] =	stream.indirect.gather [hbm4b:s3+s14], $0x40, s5, s14, $0xb8;
	[tilespmem:$0x16400] =	vst v63  }
0x90: {  	s6 =	sshrl.u32 s26, $0x3;
	s5 =	sadd.s32 $0x780, s17  }
0x91: {  	[tilespmem:s30], [sflag:$0x2] =	stream.indirect.gather [hbm4b:s3+s14], $0x40, s5, s14, $0xb8;
	[tilespmem:$0x16400] =	vst v63  }
0x92: {  	s5 =	sadd.s32 s4, s6  }
0x93: {  	[hbm4b:s5+s2] =	stream.linear.scatter [tilespmem:s15], [sflag:$0x3], $0x8000, $0x38;
	[tilespmem:$0x16400] =	vst v63  }
0x94: {  	_ =	swait.ge [sflag:s31], $0x2000  }
0x95: {  	[sflag:s31] =	ssyncset.done $0x0  }
0x96: {  	[sflag:s31] =	ssyncadd.s32 $0xFFFFE000  }
0x97: {  	_ =	swait.ge [sflag:s31], $0x2000  }
0x98: {  	[sflag:s31] =	ssyncset.done $0x0  }
0x99: {  	[sflag:s31] =	ssyncadd.s32 $0xFFFFE000  }
0x9a: {  	_ =	swait.ge [sflag:s31], $0x2000  }
0x9b: {  	[sflag:s31] =	ssyncset.done $0x0  }
0x9c: {  	[sflag:s31] =	ssyncadd.s32 $0xFFFFE000  }
0x9d: {  	_ =	swait.ge [sflag:s31], $0x2000  }
0x9e: {  	[sflag:s31] =	ssyncset.done $0x0  }
0x9f: {  	[sflag:s31] =	ssyncadd.s32 $0xFFFFE000  }
0xa0: {  	_ =	swait.ge [sflag:s1], $0x8000  }
0xa1: {  	[sflag:s1] =	ssyncset.done $0x0  }
0xa2: {  	s5 =	sadd.s32 $0x800, s17;
	[sflag:s1] =	ssyncadd.s32 $0xFFFF8000  }
0xa3: {  	[tilespmem:s15], [sflag:$0x1] =	stream.indirect.gather [hbm4b:s3+s14], $0x40, s5, s14, $0xb8;
	[tilespmem:$0x16400] =	vst v63  }
0xa4: {  	s5 =	sadd.s32 $0x880, s17  }
0xa5: {  	[tilespmem:s16], [sflag:$0x1] =	stream.indirect.gather [hbm4b:s3+s14], $0x40, s5, s14, $0xb8;
	[tilespmem:$0x16400] =	vst v63  }
.Ltmp0:
0xa6: {  	s5 =	sadd.s32 $0x900, s17;
	(pc) =	sbr.rel @p0 .LBB2_2-.Ltmp0, $4  }
0xa7: {  	[tilespmem:s18], [sflag:$0x1] =	stream.indirect.gather [hbm4b:s3+s14], $0x40, s5, s14, $0xb8;
	[tilespmem:$0x16400] =	vst v63  }
0xa8: {  	s5 =	sadd.s32 $0x980, s17  }
0xa9: {  	[tilespmem:s20], [sflag:$0x1] =	stream.indirect.gather [hbm4b:s3+s14], $0x40, s5, s14, $0xb8;
	[tilespmem:$0x16400] =	vst v63  }
0xaa: {  	s26 =	sadd.s32 $0x10000, s26;
	s29 =	sadd.s32 $0x2000, s29  }
0xab: {  	[hbm4b:s12+s2] =	stream.linear.scatter [tilespmem:s23], [sflag:$0x4], $0x8000, $0x38;
	[tilespmem:$0x16400] =	vst v63  }
0xac: {  	_ =	swait.ge [sflag:s21], $0x2000  }
0xad: {  	[sflag:s21] =	ssyncset.done $0x0  }
0xae: {  	[sflag:s21] =	ssyncadd.s32 $0xFFFFE000  }
0xaf: {  	_ =	swait.ge [sflag:s21], $0x2000  }
0xb0: {  	[sflag:s21] =	ssyncset.done $0x0  }
0xb1: {  	[sflag:s21] =	ssyncadd.s32 $0xFFFFE000  }
0xb2: {  	_ =	swait.ge [sflag:s21], $0x2000  }
0xb3: {  	[sflag:s21] =	ssyncset.done $0x0  }
0xb4: {  	[sflag:s21] =	ssyncadd.s32 $0xFFFFE000  }
0xb5: {  	_ =	swait.ge [sflag:s21], $0x2000  }
0xb6: {  	[sflag:s21] =	ssyncset.done $0x0  }
0xb7: {  	[sflag:s21] =	ssyncadd.s32 $0xFFFFE000  }
0xb8: {  	_ =	swait.ge [sflag:s24], $0x8000  }
0xb9: {  	[sflag:s24] =	ssyncset.done $0x0  }
0xba: {  	s5 =	simm.s32 $0x6200;
	[sflag:s24] =	ssyncadd.s32 $0xFFFF8000  }
0xbb: {  	[tilespmem:s23], [sflag:$0x2] =	stream.indirect.gather [hbm4b:s3+s14], $0x40, s5, s14, $0xb8;
	[tilespmem:$0x16400] =	vst v63  }
0xbc: {  	s17 =	simm.s32 $0x6280  }
0xbd: {  	[tilespmem:s25], [sflag:$0x2] =	stream.indirect.gather [hbm4b:s3+s14], $0x40, s17, s14, $0xb8;
	[tilespmem:$0x16400] =	vst v63  }
0xbe: {  	s22 =	simm.s32 $0x6300  }
0xbf: {  	[tilespmem:s28], [sflag:$0x2] =	stream.indirect.gather [hbm4b:s3+s14], $0x40, s22, s14, $0xb8;
	[tilespmem:$0x16400] =	vst v63  }
0xc0: {  	s26 =	simm.s32 $0x6380  }
0xc1: {  	[tilespmem:s30], [sflag:$0x2] =	stream.indirect.gather [hbm4b:s3+s14], $0x40, s26, s14, $0xb8;
	[tilespmem:$0x16400] =	vst v63  }
0xc2: {  	_ = 	snop  }
0xc3: {  	[hbm4b:s9+s2] =	stream.linear.scatter [tilespmem:s15], [sflag:$0x3], $0x8000, $0x38;
	[tilespmem:$0x16400] =	vst v63  }
0xc4: {  	_ =	swait.ge [sflag:s31], $0x2000  }
0xc5: {  	[sflag:s31] =	ssyncset.done $0x0  }
0xc6: {  	[sflag:s31] =	ssyncadd.s32 $0xFFFFE000  }
0xc7: {  	_ =	swait.ge [sflag:s31], $0x2000  }
0xc8: {  	[sflag:s31] =	ssyncset.done $0x0  }
0xc9: {  	[sflag:s31] =	ssyncadd.s32 $0xFFFFE000  }
0xca: {  	_ =	swait.ge [sflag:s31], $0x2000  }
0xcb: {  	[sflag:s31] =	ssyncset.done $0x0  }
0xcc: {  	[sflag:s31] =	ssyncadd.s32 $0xFFFFE000  }
0xcd: {  	_ =	swait.ge [sflag:s31], $0x2000  }
0xce: {  	[sflag:s31] =	ssyncset.done $0x0  }
0xcf: {  	[sflag:s31] =	ssyncadd.s32 $0xFFFFE000  }
0xd0: {  	[hbm4b:s10+s2] =	stream.linear.scatter [tilespmem:s23], [sflag:$0x4], $0x8000, $0x38;
	[tilespmem:$0x16400] =	vst v63  }
0xd1: {  	_ =	swait.ge [sflag:s1], $0x8000  }
0xd2: {  	[sflag:s1] =	ssyncset.done $0x0  }
0xd3: {  	[sflag:s1] =	ssyncadd.s32 $0xFFFF8000  }
0xd4: {  	_ =	swait.ge [sflag:s24], $0x8000  }
0xd5: {  	s19 =	sadd.s32 $0x1, s19;
	s29 =	rddreg [dreg:$0x4]  }
0xd6: {  	p0 =	sne.s32 s19, s29  }
.Ltmp1:
0xd7: {  	_ = 	snop;
	(pc) =	sbr.rel @p0 .LBB2_1-.Ltmp1, $3  }
0xd8: {  	_ =	sdelay $0x1  }
0xd9: {  	[sflag:s24] =	ssyncset.done $0x0  }
0xda: {  	[sflag:s24] =	ssyncadd.s32 $0xFFFF8000  }
0xdb: {  	_ =	sfence.sel $0x180000  }
0xdc: {  	[bflag:$0x0] =	sbarrier.arrive $0xFFFF  }
0xdd: {  	_ =	strace $0x90000047  }
0xde: {  	s0 =	stileid.u32;
	[bflag:$0x2] =	sbarrier.arrive $0xFFFF  }
0xdf: {  	p0 =	sne.s32 s0, $0x0;
	s0 =	rddreg [dreg:$0x2]  }
0xe0: {  	s0 =	sadd.s32 @!p0 $0x100000, s0  }
0xe1: {  	[sflag:s0] =	ssyncadd.tile.s32 @!p0 $0x1;
	_ =	shalt  }
.Lfunc_end2:
_tile_overlayer_lowered:
.L_overlay_start_2:
0xe2: {  	(tag) =	ssettag $0x2  }
0xe3: {  	s0 =	rddreg [dreg:$0x0];
	s2 =	stileid.u32  }
0xe4: {  	s1 =	rddreg [dreg:$0x1];
	p0 =	sne.s32 s2, $0x0  }
0xe5: {  	s3 =	rddreg [dreg:$0x2];
	[bflag:$0x3] =	sbarrier.arrive $0xFFFF;
	s2 =	simm.s32 @!p0 $0x1C05  }
0xe6: {  	[timem:s3], [sflag:s2] =	dma.local @!p0 [hbm:s0], s1  }
0xe7: {  	s0 =	simm.s32 @!p0 $0x5  }
0xe8: {  	_ =	swait.ge @!p0 [sflag:s0], s1  }
0xe9: {  	s1 =	ssub.s32 @!p0 $0x0, s1;
	[sflag:s0] =	ssyncset.done @!p0 $0x0  }
0xea: {  	[sflag:s0] =	ssyncadd.s32 @!p0 s1  }
0xeb: {  	[bflag:$0x3] =	sbarrier.arrive $0xFFFF  }
0xec: {  	_ =	shalt  }

</sc_bundles>
